<compile_context>
chip_gen: v7x
topology: tpu7x:2x2x1
jax: 0.10.2.dev20260603
libtpu: 0.0.44.dev20260713+nightly
codegen_flags: <defaults>
</compile_context>

<pallas_src>
import functools

import jax
import jax.numpy as jnp
from jax import lax
from jax.experimental import pallas as pl
from jax.experimental.pallas import tpu as pltpu
from jax.experimental.pallas import tpu_sc as plsc

D_MODEL = 1024
POOL = 64
TOPK = 8
D_FF = 2048
MOD = 64
HEADS = 16
DH = D_MODEL // HEADS
S = 2048

BS = 256
PB = 512
QB = 256
NEG = -1e30

NCORES = 2
NSUB = 16
NWORK = NCORES * NSUB
TPW = S // NWORK
LANES = 16


def _dot(a, b):
    return jax.lax.dot_general(a, b, (((1,), (0,)), ((), ())),
                               preferred_element_type=jnp.float32)


def _dot_t(a, b):
    return jax.lax.dot_general(a, b, (((1,), (1,)), ((), ())),
                               preferred_element_type=jnp.float32)


def _bf(t):
    return t.astype(jnp.bfloat16)



def _logits_body(x_ref, wr_ref, br_ref, wc_ref, bc_ref, me_ref, cm_ref):
    x = x_ref[...]
    scores = _dot(x, wr_ref[...]) + br_ref[...]
    ctx = _dot(x, wc_ref[...]) + bc_ref[...]
    modl = _dot_t(ctx, me_ref[...])
    cm_ref[...] = jnp.concatenate([scores.T, modl.T], axis=0)



def _route_sc_body(cm_hbm, w_hbm, cm_v, out_v):
    wid = lax.axis_index("s") * NCORES + lax.axis_index("c")
    slab = (wid // 2) * (2 * TPW)
    toff = (wid % 2) * TPW
    pltpu.sync_copy(cm_hbm.at[:, pl.ds(slab, 2 * TPW)], cm_v)

    for g in range(TPW // LANES):
        tok = pl.ds(toff + g * LANES, LANES)
        otok = pl.ds(g * LANES, LANES)
        neg = jnp.full((LANES,), NEG, jnp.float32)
        one = jnp.full((LANES,), 1, jnp.int32)
        zero = jnp.full((LANES,), 0, jnp.int32)

        def top_step(p, ms):
            ins = cm_v[p, tok]
            out = []
            for j in range(TOPK):
                hi = jnp.maximum(ms[j], ins)
                ins = jnp.minimum(ms[j], ins)
                out.append(hi)
            return tuple(out)

        ms = lax.fori_loop(0, POOL, top_step, tuple([neg] * TOPK),
                           unroll=False)
        m0 = ms[0]
        t8 = ms[TOPK - 1]
        ngt = jnp.zeros((LANES,), jnp.int32)
        for j in range(TOPK):
            ngt = ngt + jnp.where(ms[j] > t8, one, zero)
        quota = TOPK - ngt

        def sel_step(p, carry):
            z, c = carry
            v = cm_v[p, tok]
            eq = v == t8
            inc = jnp.logical_or(v > t8, jnp.logical_and(eq, c < quota))
            e = jnp.where(inc, jnp.exp(v - m0),
                          jnp.zeros((LANES,), jnp.float32))
            ml = cm_v[p + POOL, tok]
            sg = 1.0 / (1.0 + jnp.exp(-ml))
            out_v[p, otok] = e * sg
            return z + e, c + jnp.where(eq, one, zero)

        z, _ = lax.fori_loop(0, POOL, sel_step,
                             (jnp.zeros((LANES,), jnp.float32),
                              jnp.zeros((LANES,), jnp.int32)),
                             unroll=False)
        rz = 1.0 / z

        def norm_step(p, carry):
            out_v[p, otok] = out_v[p, otok] * rz
            return carry

        lax.fori_loop(0, POOL, norm_step, 0, unroll=False)

    pltpu.sync_copy(out_v, w_hbm.at[wid])


_route_sc_cache = []


def _get_route_sc():
    if not _route_sc_cache:
        _route_sc_cache.append(functools.partial(
            pl.kernel,
            mesh=plsc.VectorSubcoreMesh(core_axis_name="c",
                                        subcore_axis_name="s"),
            out_type=jax.ShapeDtypeStruct((NWORK, POOL, TPW), jnp.float32),
            scratch_types=[
                pltpu.VMEM((2 * POOL, 2 * TPW), jnp.float32),
                pltpu.VMEM((POOL, TPW), jnp.float32),
            ],
        )(_route_sc_body))
    return _route_sc_cache[0]



def _pool_body(x_ref, w_ref, pat_ref, wi_ref, bi_ref, wo_ref,
               bo_ref, wq_ref, bq_ref, no_ref, qkv_ref):
    h = jax.nn.gelu(_bf(_dot(_bf(x_ref[...]), wi_ref[...]) + bi_ref[...]))
    w3 = w_ref[...]
    w = w3.transpose(0, 2, 1).reshape(w3.shape[0] * TPW, POOL)
    wp = _dot(_bf(w), pat_ref[...])
    fired = h * wp
    no = _dot(_bf(fired), wo_ref[...]) + bo_ref[...]
    no_ref[...] = no
    qkv_ref[...] = _bf(_dot(_bf(no), wq_ref[...]) + bq_ref[...])


def _attn_body(q_ref, k_ref, v_ref, wo_ref, bo_ref, x_ref, no_ref,
               ln1g_ref, ln1b_ref, ln2g_ref, ln2b_ref, out_ref):
    q_all = q_ref[...] * jnp.bfloat16(1.0 / (DH ** 0.5))
    k_all = k_ref[...]
    v_all = v_ref[...]
    aos = []
    for h in range(HEADS):
        sl = slice(h * DH, (h + 1) * DH)
        s = _bf(_dot_t(q_all[:, sl], k_all[:, sl]))
        m = jnp.max(s, axis=-1, keepdims=True)
        p = jnp.exp(s - m)
        l = jnp.sum(p, axis=-1, keepdims=True)
        aos.append(_bf(_dot(p, v_all[:, sl]) / l.astype(jnp.float32)))

    attn_cat = jnp.concatenate(aos, axis=1)
    attn_out = _dot(attn_cat, wo_ref[...]) + bo_ref[...]
    t = x_ref[...] + attn_out
    mu = jnp.mean(t, axis=-1, keepdims=True)
    var = jnp.mean((t - mu) ** 2, axis=-1, keepdims=True)
    x1 = (t - mu) * lax.rsqrt(var + 1e-5) * ln1g_ref[...] + ln1b_ref[...]
    t2 = x1 + no_ref[...]
    mu2 = jnp.mean(t2, axis=-1, keepdims=True)
    var2 = jnp.mean((t2 - mu2) ** 2, axis=-1, keepdims=True)
    out_ref[...] = ((t2 - mu2) * lax.rsqrt(var2 + 1e-5) * ln2g_ref[...]
                    + ln2b_ref[...])


@jax.jit
def _run(x, W_router, b_router, patterns, mod_emb, W_ctx, b_ctx,
         W_in, b_in, W_out, b_out, W_qkv, b_qkv, W_o, b_o,
         ln1_g, ln1_b, ln2_g, ln2_b):
    x2 = x.reshape(S, D_MODEL)
    row = lambda v: v.reshape(1, -1)
    W_in_b = W_in.astype(jnp.bfloat16)
    patterns_b = patterns.astype(jnp.bfloat16)
    W_out_b = W_out.astype(jnp.bfloat16)
    W_qkv_b = W_qkv.astype(jnp.bfloat16)
    W_o_b = W_o.astype(jnp.bfloat16)

    full = lambda shape: pl.BlockSpec(shape, lambda i: (0, 0))
    seq = lambda w: pl.BlockSpec((BS, w), lambda i: (i, 0))

    cm = pl.pallas_call(
        _logits_body,
        grid=(S // BS,),
        in_specs=[
            seq(D_MODEL),
            full((D_MODEL, POOL)),
            full((1, POOL)),
            full((D_MODEL, MOD)),
            full((1, MOD)),
            full((POOL, MOD)),
        ],
        out_specs=pl.BlockSpec((2 * POOL, BS), lambda i: (0, i)),
        out_shape=jax.ShapeDtypeStruct((2 * POOL, S), jnp.float32),
        compiler_params=pltpu.CompilerParams(
            dimension_semantics=("arbitrary",)),
    )(x2, W_router, row(b_router), W_ctx, row(b_ctx), mod_emb)

    w3 = _get_route_sc()(cm)

    pseq = lambda w: pl.BlockSpec((PB, w), lambda i: (i, 0))
    neuron_output, qkv = pl.pallas_call(
        _pool_body,
        grid=(S // PB,),
        in_specs=[
            pseq(D_MODEL),
            pl.BlockSpec((PB // TPW, POOL, TPW), lambda i: (i, 0, 0)),
            full((POOL, D_FF)),
            full((D_MODEL, D_FF)),
            full((1, D_FF)),
            full((D_FF, D_MODEL)),
            full((1, D_MODEL)),
            full((D_MODEL, 3 * D_MODEL)),
            full((1, 3 * D_MODEL)),
        ],
        out_specs=[pseq(D_MODEL), pseq(3 * D_MODEL)],
        out_shape=[jax.ShapeDtypeStruct((S, D_MODEL), jnp.float32),
                   jax.ShapeDtypeStruct((S, 3 * D_MODEL), jnp.bfloat16)],
        compiler_params=pltpu.CompilerParams(
            dimension_semantics=("arbitrary",)),
    )(x2, w3, patterns_b, W_in_b, row(b_in), W_out_b, row(b_out),
      W_qkv_b, row(b_qkv))

    out = pl.pallas_call(
        _attn_body,
        grid=(S // QB,),
        in_specs=[
            pl.BlockSpec((QB, D_MODEL), lambda i: (i, 0)),
            pl.BlockSpec((S, D_MODEL), lambda i: (0, 1)),
            pl.BlockSpec((S, D_MODEL), lambda i: (0, 2)),
            full((D_MODEL, D_MODEL)),
            full((1, D_MODEL)),
            pl.BlockSpec((QB, D_MODEL), lambda i: (i, 0)),
            pl.BlockSpec((QB, D_MODEL), lambda i: (i, 0)),
            full((1, D_MODEL)),
            full((1, D_MODEL)),
            full((1, D_MODEL)),
            full((1, D_MODEL)),
        ],
        out_specs=pl.BlockSpec((QB, D_MODEL), lambda i: (i, 0)),
        out_shape=jax.ShapeDtypeStruct((S, D_MODEL), jnp.float32),
        compiler_params=pltpu.CompilerParams(
            dimension_semantics=("arbitrary",)),
    )(qkv, qkv, qkv, W_o_b, row(b_o), x2, neuron_output,
      row(ln1_g), row(ln1_b), row(ln2_g), row(ln2_b))

    return out.reshape(1, S, D_MODEL)


def kernel(x, W_router, b_router, patterns, mod_emb, W_ctx, b_ctx, W_in,
           b_in, W_out, b_out, W_qkv, b_qkv, W_o, b_o, ln1_g, ln1_b,
           ln2_g, ln2_b):
    return _run(x, W_router, b_router, patterns, mod_emb, W_ctx, b_ctx,
                W_in, b_in, W_out, b_out, W_qkv, b_qkv, W_o, b_o,
                ln1_g, ln1_b, ln2_g, ln2_b)

# --- scband reference (transcript-rebuilt; emitter-appended) ---
"""Pipeline reference for scband-advanced-contextual-sproutlayer-32865089749380 (READ-ONLY COPY).

The authoritative reference and input builder live on the scoring server;
editing this copy changes nothing except your own understanding.
"""

import jax, jax.numpy as jnp
import numpy as np

D_MODEL = 1024
POOL = 64
K = 8
D_FF = 2048
MOD = 64
HEADS = 16
TEMP = 1.0
B = 1
S = 2048


def setup_inputs(seed: int = 0) -> dict:
    key = jax.random.key(seed)
    ks = jax.random.split(key, 12)
    def n(k_, shape, scale=0.02):
        return jax.random.normal(k_, shape, dtype=jnp.float32) * scale
    inp = {
        'x': jax.random.normal(ks[0], (B, S, D_MODEL), dtype=jnp.float32),
        'W_router': n(ks[1], (D_MODEL, POOL)),
        'b_router': jnp.zeros((POOL,), jnp.float32),
        'patterns': n(ks[2], (POOL, D_FF), 1.0),
        'mod_emb': n(ks[3], (POOL, MOD), 1.0),
        'W_ctx': n(ks[4], (D_MODEL, MOD)),
        'b_ctx': jnp.zeros((MOD,), jnp.float32),
        'W_in': n(ks[5], (D_MODEL, D_FF)),
        'b_in': jnp.zeros((D_FF,), jnp.float32),
        'W_out': n(ks[6], (D_FF, D_MODEL)),
        'b_out': jnp.zeros((D_MODEL,), jnp.float32),
        'W_qkv': n(ks[7], (D_MODEL, 3 * D_MODEL)),
        'b_qkv': jnp.zeros((3 * D_MODEL,), jnp.float32),
        'W_o': n(ks[8], (D_MODEL, D_MODEL)),
        'b_o': jnp.zeros((D_MODEL,), jnp.float32),
        'ln1_g': jnp.ones((D_MODEL,), jnp.float32),
        'ln1_b': jnp.zeros((D_MODEL,), jnp.float32),
        'ln2_g': jnp.ones((D_MODEL,), jnp.float32),
        'ln2_b': jnp.zeros((D_MODEL,), jnp.float32),
    }
    return inp


def _layer_norm(t, g, b):
    mu = jnp.mean(t, axis=-1, keepdims=True)
    var = jnp.var(t, axis=-1, keepdims=True)
    return (t - mu) / jnp.sqrt(var + 1e-5) * g + b


def reference(x, W_router, b_router, patterns, mod_emb, W_ctx, b_ctx,
              W_in, b_in, W_out, b_out, W_qkv, b_qkv, W_o, b_o,
              ln1_g, ln1_b, ln2_g, ln2_b):
    Bb, Ss, Dd = x.shape
    # --- ContextRouter: score every neuron per token, select top-k (eval mode, no gumbel noise) ---
    selection_scores = x @ W_router + b_router            # [B, S, POOL]
    top_vals, selected_indices = jax.lax.top_k(selection_scores / TEMP, K)
    pattern_weights = jax.nn.softmax(top_vals, axis=-1)   # [B, S, K]
    # --- ContextualNeuronPool: context-modulated firing patterns ---
    h = jax.nn.gelu(x @ W_in + b_in)                      # [B, S, D_FF]
    sel_patterns = patterns[selected_indices]             # gather -> [B, S, K, D_FF]
    ctx = x @ W_ctx + b_ctx                               # [B, S, MOD]
    sel_mod = mod_emb[selected_indices]                   # gather -> [B, S, K, MOD]
    mod_scale = jax.nn.sigmoid(jnp.einsum('bsm,bskm->bsk', ctx, sel_mod))
    w = pattern_weights * mod_scale                       # [B, S, K]
    weighted_pattern = jnp.einsum('bsk,bskf->bsf', w, sel_patterns)  # [B, S, D_FF]
    fired = h * weighted_pattern
    neuron_output = fired @ W_out + b_out                 # [B, S, D_MODEL]
    # --- Self-attention over neuron_output (MHA, eval mode so dropout is identity) ---
    qkv = neuron_output @ W_qkv + b_qkv
    q, k, v = jnp.split(qkv, 3, axis=-1)
    dh = Dd // HEADS
    def heads(t):
        return t.reshape(Bb, Ss, HEADS, dh).transpose(0, 2, 1, 3)
    q, k, v = heads(q), heads(k), heads(v)
    att = jax.nn.softmax((q @ k.transpose(0, 1, 3, 2)) / np.sqrt(dh), axis=-1)
    ao = (att @ v).transpose(0, 2, 1, 3).reshape(Bb, Ss, Dd)
    attn_out = ao @ W_o + b_o
    # --- Residual + norms ---
    x1 = _layer_norm(x + attn_out, ln1_g, ln1_b)
    out = _layer_norm(x1 + neuron_output, ln2_g, ln2_b)
    return out

if __name__ == "__main__":
    import jax
    _d = setup_inputs()
    print(jax.jit(kernel)(*tuple(_d.values())))

</pallas_src>

<mosaic_0001>
#map = affine_map<(d0, d1) -> (0, 0)>
#map1 = affine_map<(d0, d1) -> (0, 0, 0)>
module attributes {stable_mosaic.version = 14 : i64} {
  func.func @_route_sc_body(%arg0: i32, %arg1: i32, %arg2: memref<128x2048xf32, #tpu.memory_space<hbm>>, %arg3: memref<32x64x64xf32, #tpu.memory_space<hbm>>, %arg4: memref<128x128xf32, #tpu.memory_space<vmem>>, %arg5: memref<64x64xf32, #tpu.memory_space<vmem>>) attributes {dimension_semantics = [#tpu.dimension_semantics<core_parallel>, #tpu.dimension_semantics<subcore_parallel>], iteration_bounds = array<i64: 2, 16>, scalar_prefetch = 0 : i64, scratch_operands = 2 : i64, tpu.core_type = #tpu.core_type<sc_vector_subcore>, window_params = [{transform_indices = #map}, {transform_indices = #map1}]} {
    %mul3A = arith.constant 2 : i32
    %mul3A_0 = arith.muli %arg1, %mul3A : i32
    %add3A = arith.addi %mul3A_0, %arg0 : i32
    %jit3A = arith.constant 2 : i32
    %div3A = arith.divsi %add3A, %jit3A : i32
    %sign3A = arith.constant 0 : i32
    %sign3A_1 = arith.cmpi sgt, %add3A, %sign3A : i32
    %sign3A_2 = arith.extui %sign3A_1 : i1 to i32
    %sign3A_3 = arith.constant 0 : i32
    %sign3A_4 = arith.cmpi slt, %add3A, %sign3A_3 : i32
    %sign3A_5 = arith.extui %sign3A_4 : i1 to i32
    %sign3A_6 = arith.subi %sign3A_2, %sign3A_5 : i32
    %sign3A_7 = arith.constant 0 : i32
    %sign3A_8 = arith.cmpi sgt, %jit3A, %sign3A_7 : i32
    %sign3A_9 = arith.extui %sign3A_8 : i1 to i32
    %sign3A_10 = arith.constant 0 : i32
    %sign3A_11 = arith.cmpi slt, %jit3A, %sign3A_10 : i32
    %sign3A_12 = arith.extui %sign3A_11 : i1 to i32
    %sign3A_13 = arith.subi %sign3A_9, %sign3A_12 : i32
    %ne3A = arith.cmpi ne, %sign3A_6, %sign3A_13 : i32
    %rem3A = arith.remsi %add3A, %jit3A : i32
    %ne3A_14 = arith.constant 0 : i32
    %ne3A_15 = arith.cmpi ne, %rem3A, %ne3A_14 : i32
    %and3A = arith.andi %ne3A, %ne3A_15 : i1
    %sub3A = arith.constant 1 : i32
    %sub3A_16 = arith.subi %div3A, %sub3A : i32
    %select_n3A = arith.select %and3A, %sub3A_16, %div3A : i32
    %mul3A_17 = arith.constant 128 : i32
    %mul3A_18 = arith.muli %select_n3A, %mul3A_17 : i32
    %jit3A_19 = arith.constant 2 : i32
    %eq3A = arith.constant 0 : i32
    %eq3A_20 = arith.cmpi eq, %jit3A_19, %eq3A : i32
    %jit3A_21 = arith.constant 1 : i32
    %select_n3A_22 = arith.select %eq3A_20, %jit3A_21, %jit3A_19 : i32
    %rem3A_23 = arith.remsi %add3A, %select_n3A_22 : i32
    %ne3A_24 = arith.constant 0 : i32
    %ne3A_25 = arith.cmpi ne, %rem3A_23, %ne3A_24 : i32
    %lt3A = arith.constant 0 : i32
    %lt3A_26 = arith.cmpi slt, %rem3A_23, %lt3A : i32
    %lt3A_27 = arith.constant 0 : i32
    %lt3A_28 = arith.cmpi slt, %select_n3A_22, %lt3A_27 : i32
    %ne3A_29 = arith.xori %lt3A_26, %lt3A_28 : i1
    %and3A_30 = arith.andi %ne3A_29, %ne3A_25 : i1
    %add3A_31 = arith.addi %rem3A_23, %select_n3A_22 : i32
    %select_n3A_32 = arith.select %and3A_30, %add3A_31, %rem3A_23 : i32
    %mul3A_33 = arith.constant 64 : i32
    %mul3A_34 = arith.muli %select_n3A_32, %mul3A_33 : i32
    "tpu.region"() ({
      %run_scoped3A = tpu.sem_alloc : memref<!tpu.dma_semaphore, #tpu.memory_space<semaphore_mem>>
      %dma_start3A = arith.constant 0 : i32
      %dma_start3A_280 = tpu.memref_slice %arg2[%dma_start3A, %mul3A_18] : memref<128x2048xf32, #tpu.memory_space<hbm>> -> memref<128x128xf32, #tpu.memory_space<hbm>>
      %dma_start3A_281 = arith.constant 0 : i32
      %dma_start3A_282 = tpu.memref_slice %arg2[%dma_start3A_281, %mul3A_18] : memref<128x2048xf32, #tpu.memory_space<hbm>> -> memref<128x128xf32, #tpu.memory_space<hbm>>
      tpu.enqueue_dma source(%dma_start3A_282 : memref<128x128xf32, #tpu.memory_space<hbm>>) target(%arg4 : memref<128x128xf32, #tpu.memory_space<vmem>>) target_semaphore(%run_scoped3A : memref<!tpu.dma_semaphore, #tpu.memory_space<semaphore_mem>>)
      %dma_wait3A = arith.constant 0 : i32
      %dma_wait3A_283 = tpu.memref_slice %arg2[%dma_wait3A, %mul3A_18] : memref<128x2048xf32, #tpu.memory_space<hbm>> -> memref<128x128xf32, #tpu.memory_space<hbm>>
      %dma_wait3A_284 = arith.constant 0 : i32
      %dma_wait3A_285 = tpu.memref_slice %arg2[%dma_wait3A_284, %mul3A_18] : memref<128x2048xf32, #tpu.memory_space<hbm>> -> memref<128x128xf32, #tpu.memory_space<hbm>>
      tpu.wait_dma2 semaphore(%run_scoped3A : memref<!tpu.dma_semaphore, #tpu.memory_space<semaphore_mem>>) src(%dma_wait3A_285 : memref<128x128xf32, #tpu.memory_space<hbm>>) dst(%arg4 : memref<128x128xf32, #tpu.memory_space<vmem>>)
      tpu.yield
    }) : () -> ()
    %add3A_35 = arith.constant 0 : i32
    %add3A_36 = arith.addi %mul3A_34, %add3A_35 : i32
    %broadcast_in_dim3A = arith.constant -1.000000e+30 : f32
    %broadcast_in_dim3A_37 = vector.broadcast %broadcast_in_dim3A : f32 to vector<16xf32>
    %broadcast_in_dim3A_38 = arith.constant 1 : i32
    %broadcast_in_dim3A_39 = vector.broadcast %broadcast_in_dim3A_38 : i32 to vector<16xi32>
    %broadcast_in_dim3A_40 = arith.constant 0 : i32
    %broadcast_in_dim3A_41 = vector.broadcast %broadcast_in_dim3A_40 : i32 to vector<16xi32>
    %scan3A = arith.constant 0 : i32
    %scan3A_42 = arith.constant 64 : i32
    %scan3A_43 = arith.addi %scan3A, %scan3A_42 : i32
    %scan3A_44 = arith.constant 1 : i32
    %scan3A_45:8 = scf.for %scan3A_280 = %scan3A to %scan3A_43 step %scan3A_44 iter_args(%scan3A_281 = %broadcast_in_dim3A_37, %scan3A_282 = %broadcast_in_dim3A_37, %scan3A_283 = %broadcast_in_dim3A_37, %scan3A_284 = %broadcast_in_dim3A_37, %scan3A_285 = %broadcast_in_dim3A_37, %scan3A_286 = %broadcast_in_dim3A_37, %scan3A_287 = %broadcast_in_dim3A_37, %scan3A_288 = %broadcast_in_dim3A_37) -> (vector<16xf32>, vector<16xf32>, vector<16xf32>, vector<16xf32>, vector<16xf32>, vector<16xf32>, vector<16xf32>, vector<16xf32>)  : i32 {
      %get3A = arith.index_cast %scan3A_280 : i32 to index
      %get3A_289 = arith.index_cast %add3A_36 : i32 to index
      %get3A_290 = tpu.vector_load %arg4[%get3A, %get3A_289] {strides = array<i32>} : memref<128x128xf32, #tpu.memory_space<vmem>>, vector<1x16xf32>,
      %get3A_291 = vector.shape_cast %get3A_290 : vector<1x16xf32> to vector<16xf32>
      %max3A = arith.maximumf %scan3A_281, %get3A_291 : vector<16xf32>
      %min3A = arith.minimumf %scan3A_281, %get3A_291 : vector<16xf32>
      %max3A_292 = arith.maximumf %scan3A_282, %min3A : vector<16xf32>
      %min3A_293 = arith.minimumf %scan3A_282, %min3A : vector<16xf32>
      %max3A_294 = arith.maximumf %scan3A_283, %min3A_293 : vector<16xf32>
      %min3A_295 = arith.minimumf %scan3A_283, %min3A_293 : vector<16xf32>
      %max3A_296 = arith.maximumf %scan3A_284, %min3A_295 : vector<16xf32>
      %min3A_297 = arith.minimumf %scan3A_284, %min3A_295 : vector<16xf32>
      %max3A_298 = arith.maximumf %scan3A_285, %min3A_297 : vector<16xf32>
      %min3A_299 = arith.minimumf %scan3A_285, %min3A_297 : vector<16xf32>
      %max3A_300 = arith.maximumf %scan3A_286, %min3A_299 : vector<16xf32>
      %min3A_301 = arith.minimumf %scan3A_286, %min3A_299 : vector<16xf32>
      %max3A_302 = arith.maximumf %scan3A_287, %min3A_301 : vector<16xf32>
      %min3A_303 = arith.minimumf %scan3A_287, %min3A_301 : vector<16xf32>
      %max3A_304 = arith.maximumf %scan3A_288, %min3A_303 : vector<16xf32>
      %min3A_305 = arith.minimumf %scan3A_288, %min3A_303 : vector<16xf32>
      scf.yield %max3A, %max3A_292, %max3A_294, %max3A_296, %max3A_298, %max3A_300, %max3A_302, %max3A_304 : vector<16xf32>, vector<16xf32>, vector<16xf32>, vector<16xf32>, vector<16xf32>, vector<16xf32>, vector<16xf32>, vector<16xf32>
    }
    %scan3A_46 = arith.constant 64 : i32
    %broadcast_in_dim3A_47 = arith.constant 0 : i32
    %broadcast_in_dim3A_48 = vector.broadcast %broadcast_in_dim3A_47 : i32 to vector<16xi32>
    %gt3A = arith.cmpf ogt, %scan3A_45#0, %scan3A_45#7 : vector<16xf32>
    %select_n3A_49 = arith.select %gt3A, %broadcast_in_dim3A_39, %broadcast_in_dim3A_41 : vector<16xi1>, vector<16xi32>
    %add3A_50 = arith.addi %broadcast_in_dim3A_48, %select_n3A_49 : vector<16xi32>
    %gt3A_51 = arith.cmpf ogt, %scan3A_45#1, %scan3A_45#7 : vector<16xf32>
    %select_n3A_52 = arith.select %gt3A_51, %broadcast_in_dim3A_39, %broadcast_in_dim3A_41 : vector<16xi1>, vector<16xi32>
    %add3A_53 = arith.addi %add3A_50, %select_n3A_52 : vector<16xi32>
    %gt3A_54 = arith.cmpf ogt, %scan3A_45#2, %scan3A_45#7 : vector<16xf32>
    %select_n3A_55 = arith.select %gt3A_54, %broadcast_in_dim3A_39, %broadcast_in_dim3A_41 : vector<16xi1>, vector<16xi32>
    %add3A_56 = arith.addi %add3A_53, %select_n3A_55 : vector<16xi32>
    %gt3A_57 = arith.cmpf ogt, %scan3A_45#3, %scan3A_45#7 : vector<16xf32>
    %select_n3A_58 = arith.select %gt3A_57, %broadcast_in_dim3A_39, %broadcast_in_dim3A_41 : vector<16xi1>, vector<16xi32>
    %add3A_59 = arith.addi %add3A_56, %select_n3A_58 : vector<16xi32>
    %gt3A_60 = arith.cmpf ogt, %scan3A_45#4, %scan3A_45#7 : vector<16xf32>
    %select_n3A_61 = arith.select %gt3A_60, %broadcast_in_dim3A_39, %broadcast_in_dim3A_41 : vector<16xi1>, vector<16xi32>
    %add3A_62 = arith.addi %add3A_59, %select_n3A_61 : vector<16xi32>
    %gt3A_63 = arith.cmpf ogt, %scan3A_45#5, %scan3A_45#7 : vector<16xf32>
    %select_n3A_64 = arith.select %gt3A_63, %broadcast_in_dim3A_39, %broadcast_in_dim3A_41 : vector<16xi1>, vector<16xi32>
    %add3A_65 = arith.addi %add3A_62, %select_n3A_64 : vector<16xi32>
    %gt3A_66 = arith.cmpf ogt, %scan3A_45#6, %scan3A_45#7 : vector<16xf32>
    %select_n3A_67 = arith.select %gt3A_66, %broadcast_in_dim3A_39, %broadcast_in_dim3A_41 : vector<16xi1>, vector<16xi32>
    %add3A_68 = arith.addi %add3A_65, %select_n3A_67 : vector<16xi32>
    %gt3A_69 = arith.cmpf ogt, %scan3A_45#7, %scan3A_45#7 : vector<16xf32>
    %select_n3A_70 = arith.select %gt3A_69, %broadcast_in_dim3A_39, %broadcast_in_dim3A_41 : vector<16xi1>, vector<16xi32>
    %add3A_71 = arith.addi %add3A_68, %select_n3A_70 : vector<16xi32>
    %sub3A_72 = arith.constant 8 : i32
    %sub3A_73 = vector.broadcast %sub3A_72 : i32 to vector<16xi32>
    %sub3A_74 = arith.subi %sub3A_73, %add3A_71 : vector<16xi32>
    %broadcast_in_dim3A_75 = arith.constant 0.000000e+00 : f32
    %broadcast_in_dim3A_76 = vector.broadcast %broadcast_in_dim3A_75 : f32 to vector<16xf32>
    %broadcast_in_dim3A_77 = arith.constant 0 : i32
    %broadcast_in_dim3A_78 = vector.broadcast %broadcast_in_dim3A_77 : i32 to vector<16xi32>
    %scan3A_79 = arith.constant 0 : i32
    %scan3A_80 = arith.constant 64 : i32
    %scan3A_81 = arith.addi %scan3A_79, %scan3A_80 : i32
    %scan3A_82 = arith.constant 1 : i32
    %scan3A_83:2 = scf.for %scan3A_280 = %scan3A_79 to %scan3A_81 step %scan3A_82 iter_args(%scan3A_281 = %broadcast_in_dim3A_76, %scan3A_282 = %broadcast_in_dim3A_78) -> (vector<16xf32>, vector<16xi32>)  : i32 {
      %get3A = arith.index_cast %scan3A_280 : i32 to index
      %get3A_283 = arith.index_cast %add3A_36 : i32 to index
      %get3A_284 = tpu.vector_load %arg4[%get3A, %get3A_283] {strides = array<i32>} : memref<128x128xf32, #tpu.memory_space<vmem>>, vector<1x16xf32>,
      %get3A_285 = vector.shape_cast %get3A_284 : vector<1x16xf32> to vector<16xf32>
      %eq3A_286 = arith.cmpf oeq, %get3A_285, %scan3A_45#7 : vector<16xf32>
      %gt3A_287 = arith.cmpf ogt, %get3A_285, %scan3A_45#7 : vector<16xf32>
      %lt3A_288 = arith.cmpi slt, %scan3A_282, %sub3A_74 : vector<16xi32>
      %and3A_289 = arith.andi %eq3A_286, %lt3A_288 : vector<16xi1>
      %or3A = arith.ori %gt3A_287, %and3A_289 : vector<16xi1>
      %sub3A_290 = arith.subf %get3A_285, %scan3A_45#0 : vector<16xf32>
      %exp3A = math.exp %sub3A_290 : vector<16xf32>
      %broadcast_in_dim3A_291 = arith.constant 0.000000e+00 : f32
      %broadcast_in_dim3A_292 = vector.broadcast %broadcast_in_dim3A_291 : f32 to vector<16xf32>
      %select_n3A_293 = arith.select %or3A, %exp3A, %broadcast_in_dim3A_292 : vector<16xi1>, vector<16xf32>
      %add3A_294 = arith.constant 64 : i32
      %add3A_295 = arith.addi %scan3A_280, %add3A_294 : i32
      %get3A_296 = arith.index_cast %add3A_295 : i32 to index
      %get3A_297 = arith.index_cast %add3A_36 : i32 to index
      %get3A_298 = tpu.vector_load %arg4[%get3A_296, %get3A_297] {strides = array<i32>} : memref<128x128xf32, #tpu.memory_space<vmem>>, vector<1x16xf32>,
      %get3A_299 = vector.shape_cast %get3A_298 : vector<1x16xf32> to vector<16xf32>
      %neg3A = arith.constant 0.000000e+00 : f32
      %neg3A_300 = vector.broadcast %neg3A : f32 to vector<16xf32>
      %neg3A_301 = arith.subf %neg3A_300, %get3A_299 : vector<16xf32>
      %exp3A_302 = math.exp %neg3A_301 : vector<16xf32>
      %add3A_303 = arith.constant 1.000000e+00 : f32
      %add3A_304 = vector.broadcast %add3A_303 : f32 to vector<16xf32>
      %add3A_305 = arith.addf %add3A_304, %exp3A_302 : vector<16xf32>
      %div3A_306 = arith.constant 1.000000e+00 : f32
      %div3A_307 = vector.broadcast %div3A_306 : f32 to vector<16xf32>
      %div3A_308 = arith.divf %div3A_307, %add3A_305 : vector<16xf32>
      %mul3A_309 = arith.mulf %select_n3A_293, %div3A_308 : vector<16xf32>
      %swap3A = arith.index_cast %scan3A_280 : i32 to index
      %swap3A_310 = arith.constant 0 : index
      %swap3A_311 = tpu.vector_load %arg5[%swap3A, %swap3A_310] {strides = array<i32>} : memref<64x64xf32, #tpu.memory_space<vmem>>, vector<1x16xf32>,
      %swap3A_312 = vector.shape_cast %swap3A_311 : vector<1x16xf32> to vector<16xf32>
      %swap3A_313 = vector.shape_cast %mul3A_309 : vector<16xf32> to vector<1x16xf32>
      tpu.vector_store %arg5[%swap3A, %swap3A_310], %swap3A_313 {strides = array<i32>} : memref<64x64xf32, #tpu.memory_space<vmem>>, vector<1x16xf32>,
      %add3A_314 = arith.addf %scan3A_281, %select_n3A_293 : vector<16xf32>
      %select_n3A_315 = arith.select %eq3A_286, %broadcast_in_dim3A_39, %broadcast_in_dim3A_41 : vector<16xi1>, vector<16xi32>
      %add3A_316 = arith.addi %scan3A_282, %select_n3A_315 : vector<16xi32>
      scf.yield %add3A_314, %add3A_316 : vector<16xf32>, vector<16xi32>
    }
    %scan3A_84 = arith.constant 64 : i32
    %div3A_85 = arith.constant 1.000000e+00 : f32
    %div3A_86 = vector.broadcast %div3A_85 : f32 to vector<16xf32>
    %div3A_87 = arith.divf %div3A_86, %scan3A_83#0 : vector<16xf32>
    %scan3A_88 = arith.constant 0 : i32
    %scan3A_89 = arith.constant 0 : i32
    %scan3A_90 = arith.constant 64 : i32
    %scan3A_91 = arith.addi %scan3A_89, %scan3A_90 : i32
    %scan3A_92 = arith.constant 1 : i32
    scf.for %scan3A_280 = %scan3A_89 to %scan3A_91 step %scan3A_92  : i32 {
      %get3A = arith.index_cast %scan3A_280 : i32 to index
      %get3A_281 = arith.constant 0 : index
      %get3A_282 = tpu.vector_load %arg5[%get3A, %get3A_281] {strides = array<i32>} : memref<64x64xf32, #tpu.memory_space<vmem>>, vector<1x16xf32>,
      %get3A_283 = vector.shape_cast %get3A_282 : vector<1x16xf32> to vector<16xf32>
      %mul3A_284 = arith.mulf %get3A_283, %div3A_87 : vector<16xf32>
      %swap3A = arith.index_cast %scan3A_280 : i32 to index
      %swap3A_285 = arith.constant 0 : index
      %swap3A_286 = tpu.vector_load %arg5[%swap3A, %swap3A_285] {strides = array<i32>} : memref<64x64xf32, #tpu.memory_space<vmem>>, vector<1x16xf32>,
      %swap3A_287 = vector.shape_cast %swap3A_286 : vector<1x16xf32> to vector<16xf32>
      %swap3A_288 = vector.shape_cast %mul3A_284 : vector<16xf32> to vector<1x16xf32>
      tpu.vector_store %arg5[%swap3A, %swap3A_285], %swap3A_288 {strides = array<i32>} : memref<64x64xf32, #tpu.memory_space<vmem>>, vector<1x16xf32>,
    }
    %scan3A_93 = arith.constant 64 : i32
    %add3A_94 = arith.constant 16 : i32
    %add3A_95 = arith.addi %mul3A_34, %add3A_94 : i32
    %broadcast_in_dim3A_96 = arith.constant -1.000000e+30 : f32
    %broadcast_in_dim3A_97 = vector.broadcast %broadcast_in_dim3A_96 : f32 to vector<16xf32>
    %broadcast_in_dim3A_98 = arith.constant 1 : i32
    %broadcast_in_dim3A_99 = vector.broadcast %broadcast_in_dim3A_98 : i32 to vector<16xi32>
    %broadcast_in_dim3A_100 = arith.constant 0 : i32
    %broadcast_in_dim3A_101 = vector.broadcast %broadcast_in_dim3A_100 : i32 to vector<16xi32>
    %scan3A_102 = arith.constant 0 : i32
    %scan3A_103 = arith.constant 64 : i32
    %scan3A_104 = arith.addi %scan3A_102, %scan3A_103 : i32
    %scan3A_105 = arith.constant 1 : i32
    %scan3A_106:8 = scf.for %scan3A_280 = %scan3A_102 to %scan3A_104 step %scan3A_105 iter_args(%scan3A_281 = %broadcast_in_dim3A_97, %scan3A_282 = %broadcast_in_dim3A_97, %scan3A_283 = %broadcast_in_dim3A_97, %scan3A_284 = %broadcast_in_dim3A_97, %scan3A_285 = %broadcast_in_dim3A_97, %scan3A_286 = %broadcast_in_dim3A_97, %scan3A_287 = %broadcast_in_dim3A_97, %scan3A_288 = %broadcast_in_dim3A_97) -> (vector<16xf32>, vector<16xf32>, vector<16xf32>, vector<16xf32>, vector<16xf32>, vector<16xf32>, vector<16xf32>, vector<16xf32>)  : i32 {
      %get3A = arith.index_cast %scan3A_280 : i32 to index
      %get3A_289 = arith.index_cast %add3A_95 : i32 to index
      %get3A_290 = tpu.vector_load %arg4[%get3A, %get3A_289] {strides = array<i32>} : memref<128x128xf32, #tpu.memory_space<vmem>>, vector<1x16xf32>,
      %get3A_291 = vector.shape_cast %get3A_290 : vector<1x16xf32> to vector<16xf32>
      %max3A = arith.maximumf %scan3A_281, %get3A_291 : vector<16xf32>
      %min3A = arith.minimumf %scan3A_281, %get3A_291 : vector<16xf32>
      %max3A_292 = arith.maximumf %scan3A_282, %min3A : vector<16xf32>
      %min3A_293 = arith.minimumf %scan3A_282, %min3A : vector<16xf32>
      %max3A_294 = arith.maximumf %scan3A_283, %min3A_293 : vector<16xf32>
      %min3A_295 = arith.minimumf %scan3A_283, %min3A_293 : vector<16xf32>
      %max3A_296 = arith.maximumf %scan3A_284, %min3A_295 : vector<16xf32>
      %min3A_297 = arith.minimumf %scan3A_284, %min3A_295 : vector<16xf32>
      %max3A_298 = arith.maximumf %scan3A_285, %min3A_297 : vector<16xf32>
      %min3A_299 = arith.minimumf %scan3A_285, %min3A_297 : vector<16xf32>
      %max3A_300 = arith.maximumf %scan3A_286, %min3A_299 : vector<16xf32>
      %min3A_301 = arith.minimumf %scan3A_286, %min3A_299 : vector<16xf32>
      %max3A_302 = arith.maximumf %scan3A_287, %min3A_301 : vector<16xf32>
      %min3A_303 = arith.minimumf %scan3A_287, %min3A_301 : vector<16xf32>
      %max3A_304 = arith.maximumf %scan3A_288, %min3A_303 : vector<16xf32>
      %min3A_305 = arith.minimumf %scan3A_288, %min3A_303 : vector<16xf32>
      scf.yield %max3A, %max3A_292, %max3A_294, %max3A_296, %max3A_298, %max3A_300, %max3A_302, %max3A_304 : vector<16xf32>, vector<16xf32>, vector<16xf32>, vector<16xf32>, vector<16xf32>, vector<16xf32>, vector<16xf32>, vector<16xf32>
    }
    %scan3A_107 = arith.constant 64 : i32
    %broadcast_in_dim3A_108 = arith.constant 0 : i32
    %broadcast_in_dim3A_109 = vector.broadcast %broadcast_in_dim3A_108 : i32 to vector<16xi32>
    %gt3A_110 = arith.cmpf ogt, %scan3A_106#0, %scan3A_106#7 : vector<16xf32>
    %select_n3A_111 = arith.select %gt3A_110, %broadcast_in_dim3A_99, %broadcast_in_dim3A_101 : vector<16xi1>, vector<16xi32>
    %add3A_112 = arith.addi %broadcast_in_dim3A_109, %select_n3A_111 : vector<16xi32>
    %gt3A_113 = arith.cmpf ogt, %scan3A_106#1, %scan3A_106#7 : vector<16xf32>
    %select_n3A_114 = arith.select %gt3A_113, %broadcast_in_dim3A_99, %broadcast_in_dim3A_101 : vector<16xi1>, vector<16xi32>
    %add3A_115 = arith.addi %add3A_112, %select_n3A_114 : vector<16xi32>
    %gt3A_116 = arith.cmpf ogt, %scan3A_106#2, %scan3A_106#7 : vector<16xf32>
    %select_n3A_117 = arith.select %gt3A_116, %broadcast_in_dim3A_99, %broadcast_in_dim3A_101 : vector<16xi1>, vector<16xi32>
    %add3A_118 = arith.addi %add3A_115, %select_n3A_117 : vector<16xi32>
    %gt3A_119 = arith.cmpf ogt, %scan3A_106#3, %scan3A_106#7 : vector<16xf32>
    %select_n3A_120 = arith.select %gt3A_119, %broadcast_in_dim3A_99, %broadcast_in_dim3A_101 : vector<16xi1>, vector<16xi32>
    %add3A_121 = arith.addi %add3A_118, %select_n3A_120 : vector<16xi32>
    %gt3A_122 = arith.cmpf ogt, %scan3A_106#4, %scan3A_106#7 : vector<16xf32>
    %select_n3A_123 = arith.select %gt3A_122, %broadcast_in_dim3A_99, %broadcast_in_dim3A_101 : vector<16xi1>, vector<16xi32>
    %add3A_124 = arith.addi %add3A_121, %select_n3A_123 : vector<16xi32>
    %gt3A_125 = arith.cmpf ogt, %scan3A_106#5, %scan3A_106#7 : vector<16xf32>
    %select_n3A_126 = arith.select %gt3A_125, %broadcast_in_dim3A_99, %broadcast_in_dim3A_101 : vector<16xi1>, vector<16xi32>
    %add3A_127 = arith.addi %add3A_124, %select_n3A_126 : vector<16xi32>
    %gt3A_128 = arith.cmpf ogt, %scan3A_106#6, %scan3A_106#7 : vector<16xf32>
    %select_n3A_129 = arith.select %gt3A_128, %broadcast_in_dim3A_99, %broadcast_in_dim3A_101 : vector<16xi1>, vector<16xi32>
    %add3A_130 = arith.addi %add3A_127, %select_n3A_129 : vector<16xi32>
    %gt3A_131 = arith.cmpf ogt, %scan3A_106#7, %scan3A_106#7 : vector<16xf32>
    %select_n3A_132 = arith.select %gt3A_131, %broadcast_in_dim3A_99, %broadcast_in_dim3A_101 : vector<16xi1>, vector<16xi32>
    %add3A_133 = arith.addi %add3A_130, %select_n3A_132 : vector<16xi32>
    %sub3A_134 = arith.constant 8 : i32
    %sub3A_135 = vector.broadcast %sub3A_134 : i32 to vector<16xi32>
    %sub3A_136 = arith.subi %sub3A_135, %add3A_133 : vector<16xi32>
    %broadcast_in_dim3A_137 = arith.constant 0.000000e+00 : f32
    %broadcast_in_dim3A_138 = vector.broadcast %broadcast_in_dim3A_137 : f32 to vector<16xf32>
    %broadcast_in_dim3A_139 = arith.constant 0 : i32
    %broadcast_in_dim3A_140 = vector.broadcast %broadcast_in_dim3A_139 : i32 to vector<16xi32>
    %scan3A_141 = arith.constant 0 : i32
    %scan3A_142 = arith.constant 64 : i32
    %scan3A_143 = arith.addi %scan3A_141, %scan3A_142 : i32
    %scan3A_144 = arith.constant 1 : i32
    %scan3A_145:2 = scf.for %scan3A_280 = %scan3A_141 to %scan3A_143 step %scan3A_144 iter_args(%scan3A_281 = %broadcast_in_dim3A_138, %scan3A_282 = %broadcast_in_dim3A_140) -> (vector<16xf32>, vector<16xi32>)  : i32 {
      %get3A = arith.index_cast %scan3A_280 : i32 to index
      %get3A_283 = arith.index_cast %add3A_95 : i32 to index
      %get3A_284 = tpu.vector_load %arg4[%get3A, %get3A_283] {strides = array<i32>} : memref<128x128xf32, #tpu.memory_space<vmem>>, vector<1x16xf32>,
      %get3A_285 = vector.shape_cast %get3A_284 : vector<1x16xf32> to vector<16xf32>
      %eq3A_286 = arith.cmpf oeq, %get3A_285, %scan3A_106#7 : vector<16xf32>
      %gt3A_287 = arith.cmpf ogt, %get3A_285, %scan3A_106#7 : vector<16xf32>
      %lt3A_288 = arith.cmpi slt, %scan3A_282, %sub3A_136 : vector<16xi32>
      %and3A_289 = arith.andi %eq3A_286, %lt3A_288 : vector<16xi1>
      %or3A = arith.ori %gt3A_287, %and3A_289 : vector<16xi1>
      %sub3A_290 = arith.subf %get3A_285, %scan3A_106#0 : vector<16xf32>
      %exp3A = math.exp %sub3A_290 : vector<16xf32>
      %broadcast_in_dim3A_291 = arith.constant 0.000000e+00 : f32
      %broadcast_in_dim3A_292 = vector.broadcast %broadcast_in_dim3A_291 : f32 to vector<16xf32>
      %select_n3A_293 = arith.select %or3A, %exp3A, %broadcast_in_dim3A_292 : vector<16xi1>, vector<16xf32>
      %add3A_294 = arith.constant 64 : i32
      %add3A_295 = arith.addi %scan3A_280, %add3A_294 : i32
      %get3A_296 = arith.index_cast %add3A_295 : i32 to index
      %get3A_297 = arith.index_cast %add3A_95 : i32 to index
      %get3A_298 = tpu.vector_load %arg4[%get3A_296, %get3A_297] {strides = array<i32>} : memref<128x128xf32, #tpu.memory_space<vmem>>, vector<1x16xf32>,
      %get3A_299 = vector.shape_cast %get3A_298 : vector<1x16xf32> to vector<16xf32>
      %neg3A = arith.constant 0.000000e+00 : f32
      %neg3A_300 = vector.broadcast %neg3A : f32 to vector<16xf32>
      %neg3A_301 = arith.subf %neg3A_300, %get3A_299 : vector<16xf32>
      %exp3A_302 = math.exp %neg3A_301 : vector<16xf32>
      %add3A_303 = arith.constant 1.000000e+00 : f32
      %add3A_304 = vector.broadcast %add3A_303 : f32 to vector<16xf32>
      %add3A_305 = arith.addf %add3A_304, %exp3A_302 : vector<16xf32>
      %div3A_306 = arith.constant 1.000000e+00 : f32
      %div3A_307 = vector.broadcast %div3A_306 : f32 to vector<16xf32>
      %div3A_308 = arith.divf %div3A_307, %add3A_305 : vector<16xf32>
      %mul3A_309 = arith.mulf %select_n3A_293, %div3A_308 : vector<16xf32>
      %swap3A = arith.index_cast %scan3A_280 : i32 to index
      %swap3A_310 = arith.constant 16 : index
      %swap3A_311 = tpu.vector_load %arg5[%swap3A, %swap3A_310] {strides = array<i32>} : memref<64x64xf32, #tpu.memory_space<vmem>>, vector<1x16xf32>,
      %swap3A_312 = vector.shape_cast %swap3A_311 : vector<1x16xf32> to vector<16xf32>
      %swap3A_313 = vector.shape_cast %mul3A_309 : vector<16xf32> to vector<1x16xf32>
      tpu.vector_store %arg5[%swap3A, %swap3A_310], %swap3A_313 {strides = array<i32>} : memref<64x64xf32, #tpu.memory_space<vmem>>, vector<1x16xf32>,
      %add3A_314 = arith.addf %scan3A_281, %select_n3A_293 : vector<16xf32>
      %select_n3A_315 = arith.select %eq3A_286, %broadcast_in_dim3A_99, %broadcast_in_dim3A_101 : vector<16xi1>, vector<16xi32>
      %add3A_316 = arith.addi %scan3A_282, %select_n3A_315 : vector<16xi32>
      scf.yield %add3A_314, %add3A_316 : vector<16xf32>, vector<16xi32>
    }
    %scan3A_146 = arith.constant 64 : i32
    %div3A_147 = arith.constant 1.000000e+00 : f32
    %div3A_148 = vector.broadcast %div3A_147 : f32 to vector<16xf32>
    %div3A_149 = arith.divf %div3A_148, %scan3A_145#0 : vector<16xf32>
    %scan3A_150 = arith.constant 0 : i32
    %scan3A_151 = arith.constant 0 : i32
    %scan3A_152 = arith.constant 64 : i32
    %scan3A_153 = arith.addi %scan3A_151, %scan3A_152 : i32
    %scan3A_154 = arith.constant 1 : i32
    scf.for %scan3A_280 = %scan3A_151 to %scan3A_153 step %scan3A_154  : i32 {
      %get3A = arith.index_cast %scan3A_280 : i32 to index
      %get3A_281 = arith.constant 16 : index
      %get3A_282 = tpu.vector_load %arg5[%get3A, %get3A_281] {strides = array<i32>} : memref<64x64xf32, #tpu.memory_space<vmem>>, vector<1x16xf32>,
      %get3A_283 = vector.shape_cast %get3A_282 : vector<1x16xf32> to vector<16xf32>
      %mul3A_284 = arith.mulf %get3A_283, %div3A_149 : vector<16xf32>
      %swap3A = arith.index_cast %scan3A_280 : i32 to index
      %swap3A_285 = arith.constant 16 : index
      %swap3A_286 = tpu.vector_load %arg5[%swap3A, %swap3A_285] {strides = array<i32>} : memref<64x64xf32, #tpu.memory_space<vmem>>, vector<1x16xf32>,
      %swap3A_287 = vector.shape_cast %swap3A_286 : vector<1x16xf32> to vector<16xf32>
      %swap3A_288 = vector.shape_cast %mul3A_284 : vector<16xf32> to vector<1x16xf32>
      tpu.vector_store %arg5[%swap3A, %swap3A_285], %swap3A_288 {strides = array<i32>} : memref<64x64xf32, #tpu.memory_space<vmem>>, vector<1x16xf32>,
    }
    %scan3A_155 = arith.constant 64 : i32
    %add3A_156 = arith.constant 32 : i32
    %add3A_157 = arith.addi %mul3A_34, %add3A_156 : i32
    %broadcast_in_dim3A_158 = arith.constant -1.000000e+30 : f32
    %broadcast_in_dim3A_159 = vector.broadcast %broadcast_in_dim3A_158 : f32 to vector<16xf32>
    %broadcast_in_dim3A_160 = arith.constant 1 : i32
    %broadcast_in_dim3A_161 = vector.broadcast %broadcast_in_dim3A_160 : i32 to vector<16xi32>
    %broadcast_in_dim3A_162 = arith.constant 0 : i32
    %broadcast_in_dim3A_163 = vector.broadcast %broadcast_in_dim3A_162 : i32 to vector<16xi32>
    %scan3A_164 = arith.constant 0 : i32
    %scan3A_165 = arith.constant 64 : i32
    %scan3A_166 = arith.addi %scan3A_164, %scan3A_165 : i32
    %scan3A_167 = arith.constant 1 : i32
    %scan3A_168:8 = scf.for %scan3A_280 = %scan3A_164 to %scan3A_166 step %scan3A_167 iter_args(%scan3A_281 = %broadcast_in_dim3A_159, %scan3A_282 = %broadcast_in_dim3A_159, %scan3A_283 = %broadcast_in_dim3A_159, %scan3A_284 = %broadcast_in_dim3A_159, %scan3A_285 = %broadcast_in_dim3A_159, %scan3A_286 = %broadcast_in_dim3A_159, %scan3A_287 = %broadcast_in_dim3A_159, %scan3A_288 = %broadcast_in_dim3A_159) -> (vector<16xf32>, vector<16xf32>, vector<16xf32>, vector<16xf32>, vector<16xf32>, vector<16xf32>, vector<16xf32>, vector<16xf32>)  : i32 {
      %get3A = arith.index_cast %scan3A_280 : i32 to index
      %get3A_289 = arith.index_cast %add3A_157 : i32 to index
      %get3A_290 = tpu.vector_load %arg4[%get3A, %get3A_289] {strides = array<i32>} : memref<128x128xf32, #tpu.memory_space<vmem>>, vector<1x16xf32>,
      %get3A_291 = vector.shape_cast %get3A_290 : vector<1x16xf32> to vector<16xf32>
      %max3A = arith.maximumf %scan3A_281, %get3A_291 : vector<16xf32>
      %min3A = arith.minimumf %scan3A_281, %get3A_291 : vector<16xf32>
      %max3A_292 = arith.maximumf %scan3A_282, %min3A : vector<16xf32>
      %min3A_293 = arith.minimumf %scan3A_282, %min3A : vector<16xf32>
      %max3A_294 = arith.maximumf %scan3A_283, %min3A_293 : vector<16xf32>
      %min3A_295 = arith.minimumf %scan3A_283, %min3A_293 : vector<16xf32>
      %max3A_296 = arith.maximumf %scan3A_284, %min3A_295 : vector<16xf32>
      %min3A_297 = arith.minimumf %scan3A_284, %min3A_295 : vector<16xf32>
      %max3A_298 = arith.maximumf %scan3A_285, %min3A_297 : vector<16xf32>
      %min3A_299 = arith.minimumf %scan3A_285, %min3A_297 : vector<16xf32>
      %max3A_300 = arith.maximumf %scan3A_286, %min3A_299 : vector<16xf32>
      %min3A_301 = arith.minimumf %scan3A_286, %min3A_299 : vector<16xf32>
      %max3A_302 = arith.maximumf %scan3A_287, %min3A_301 : vector<16xf32>
      %min3A_303 = arith.minimumf %scan3A_287, %min3A_301 : vector<16xf32>
      %max3A_304 = arith.maximumf %scan3A_288, %min3A_303 : vector<16xf32>
      %min3A_305 = arith.minimumf %scan3A_288, %min3A_303 : vector<16xf32>
      scf.yield %max3A, %max3A_292, %max3A_294, %max3A_296, %max3A_298, %max3A_300, %max3A_302, %max3A_304 : vector<16xf32>, vector<16xf32>, vector<16xf32>, vector<16xf32>, vector<16xf32>, vector<16xf32>, vector<16xf32>, vector<16xf32>
    }
    %scan3A_169 = arith.constant 64 : i32
    %broadcast_in_dim3A_170 = arith.constant 0 : i32
    %broadcast_in_dim3A_171 = vector.broadcast %broadcast_in_dim3A_170 : i32 to vector<16xi32>
    %gt3A_172 = arith.cmpf ogt, %scan3A_168#0, %scan3A_168#7 : vector<16xf32>
    %select_n3A_173 = arith.select %gt3A_172, %broadcast_in_dim3A_161, %broadcast_in_dim3A_163 : vector<16xi1>, vector<16xi32>
    %add3A_174 = arith.addi %broadcast_in_dim3A_171, %select_n3A_173 : vector<16xi32>
    %gt3A_175 = arith.cmpf ogt, %scan3A_168#1, %scan3A_168#7 : vector<16xf32>
    %select_n3A_176 = arith.select %gt3A_175, %broadcast_in_dim3A_161, %broadcast_in_dim3A_163 : vector<16xi1>, vector<16xi32>
    %add3A_177 = arith.addi %add3A_174, %select_n3A_176 : vector<16xi32>
    %gt3A_178 = arith.cmpf ogt, %scan3A_168#2, %scan3A_168#7 : vector<16xf32>
    %select_n3A_179 = arith.select %gt3A_178, %broadcast_in_dim3A_161, %broadcast_in_dim3A_163 : vector<16xi1>, vector<16xi32>
    %add3A_180 = arith.addi %add3A_177, %select_n3A_179 : vector<16xi32>
    %gt3A_181 = arith.cmpf ogt, %scan3A_168#3, %scan3A_168#7 : vector<16xf32>
    %select_n3A_182 = arith.select %gt3A_181, %broadcast_in_dim3A_161, %broadcast_in_dim3A_163 : vector<16xi1>, vector<16xi32>
    %add3A_183 = arith.addi %add3A_180, %select_n3A_182 : vector<16xi32>
    %gt3A_184 = arith.cmpf ogt, %scan3A_168#4, %scan3A_168#7 : vector<16xf32>
    %select_n3A_185 = arith.select %gt3A_184, %broadcast_in_dim3A_161, %broadcast_in_dim3A_163 : vector<16xi1>, vector<16xi32>
    %add3A_186 = arith.addi %add3A_183, %select_n3A_185 : vector<16xi32>
    %gt3A_187 = arith.cmpf ogt, %scan3A_168#5, %scan3A_168#7 : vector<16xf32>
    %select_n3A_188 = arith.select %gt3A_187, %broadcast_in_dim3A_161, %broadcast_in_dim3A_163 : vector<16xi1>, vector<16xi32>
    %add3A_189 = arith.addi %add3A_186, %select_n3A_188 : vector<16xi32>
    %gt3A_190 = arith.cmpf ogt, %scan3A_168#6, %scan3A_168#7 : vector<16xf32>
    %select_n3A_191 = arith.select %gt3A_190, %broadcast_in_dim3A_161, %broadcast_in_dim3A_163 : vector<16xi1>, vector<16xi32>
    %add3A_192 = arith.addi %add3A_189, %select_n3A_191 : vector<16xi32>
    %gt3A_193 = arith.cmpf ogt, %scan3A_168#7, %scan3A_168#7 : vector<16xf32>
    %select_n3A_194 = arith.select %gt3A_193, %broadcast_in_dim3A_161, %broadcast_in_dim3A_163 : vector<16xi1>, vector<16xi32>
    %add3A_195 = arith.addi %add3A_192, %select_n3A_194 : vector<16xi32>
    %sub3A_196 = arith.constant 8 : i32
    %sub3A_197 = vector.broadcast %sub3A_196 : i32 to vector<16xi32>
    %sub3A_198 = arith.subi %sub3A_197, %add3A_195 : vector<16xi32>
    %broadcast_in_dim3A_199 = arith.constant 0.000000e+00 : f32
    %broadcast_in_dim3A_200 = vector.broadcast %broadcast_in_dim3A_199 : f32 to vector<16xf32>
    %broadcast_in_dim3A_201 = arith.constant 0 : i32
    %broadcast_in_dim3A_202 = vector.broadcast %broadcast_in_dim3A_201 : i32 to vector<16xi32>
    %scan3A_203 = arith.constant 0 : i32
    %scan3A_204 = arith.constant 64 : i32
    %scan3A_205 = arith.addi %scan3A_203, %scan3A_204 : i32
    %scan3A_206 = arith.constant 1 : i32
    %scan3A_207:2 = scf.for %scan3A_280 = %scan3A_203 to %scan3A_205 step %scan3A_206 iter_args(%scan3A_281 = %broadcast_in_dim3A_200, %scan3A_282 = %broadcast_in_dim3A_202) -> (vector<16xf32>, vector<16xi32>)  : i32 {
      %get3A = arith.index_cast %scan3A_280 : i32 to index
      %get3A_283 = arith.index_cast %add3A_157 : i32 to index
      %get3A_284 = tpu.vector_load %arg4[%get3A, %get3A_283] {strides = array<i32>} : memref<128x128xf32, #tpu.memory_space<vmem>>, vector<1x16xf32>,
      %get3A_285 = vector.shape_cast %get3A_284 : vector<1x16xf32> to vector<16xf32>
      %eq3A_286 = arith.cmpf oeq, %get3A_285, %scan3A_168#7 : vector<16xf32>
      %gt3A_287 = arith.cmpf ogt, %get3A_285, %scan3A_168#7 : vector<16xf32>
      %lt3A_288 = arith.cmpi slt, %scan3A_282, %sub3A_198 : vector<16xi32>
      %and3A_289 = arith.andi %eq3A_286, %lt3A_288 : vector<16xi1>
      %or3A = arith.ori %gt3A_287, %and3A_289 : vector<16xi1>
      %sub3A_290 = arith.subf %get3A_285, %scan3A_168#0 : vector<16xf32>
      %exp3A = math.exp %sub3A_290 : vector<16xf32>
      %broadcast_in_dim3A_291 = arith.constant 0.000000e+00 : f32
      %broadcast_in_dim3A_292 = vector.broadcast %broadcast_in_dim3A_291 : f32 to vector<16xf32>
      %select_n3A_293 = arith.select %or3A, %exp3A, %broadcast_in_dim3A_292 : vector<16xi1>, vector<16xf32>
      %add3A_294 = arith.constant 64 : i32
      %add3A_295 = arith.addi %scan3A_280, %add3A_294 : i32
      %get3A_296 = arith.index_cast %add3A_295 : i32 to index
      %get3A_297 = arith.index_cast %add3A_157 : i32 to index
      %get3A_298 = tpu.vector_load %arg4[%get3A_296, %get3A_297] {strides = array<i32>} : memref<128x128xf32, #tpu.memory_space<vmem>>, vector<1x16xf32>,
      %get3A_299 = vector.shape_cast %get3A_298 : vector<1x16xf32> to vector<16xf32>
      %neg3A = arith.constant 0.000000e+00 : f32
      %neg3A_300 = vector.broadcast %neg3A : f32 to vector<16xf32>
      %neg3A_301 = arith.subf %neg3A_300, %get3A_299 : vector<16xf32>
      %exp3A_302 = math.exp %neg3A_301 : vector<16xf32>
      %add3A_303 = arith.constant 1.000000e+00 : f32
      %add3A_304 = vector.broadcast %add3A_303 : f32 to vector<16xf32>
      %add3A_305 = arith.addf %add3A_304, %exp3A_302 : vector<16xf32>
      %div3A_306 = arith.constant 1.000000e+00 : f32
      %div3A_307 = vector.broadcast %div3A_306 : f32 to vector<16xf32>
      %div3A_308 = arith.divf %div3A_307, %add3A_305 : vector<16xf32>
      %mul3A_309 = arith.mulf %select_n3A_293, %div3A_308 : vector<16xf32>
      %swap3A = arith.index_cast %scan3A_280 : i32 to index
      %swap3A_310 = arith.constant 32 : index
      %swap3A_311 = tpu.vector_load %arg5[%swap3A, %swap3A_310] {strides = array<i32>} : memref<64x64xf32, #tpu.memory_space<vmem>>, vector<1x16xf32>,
      %swap3A_312 = vector.shape_cast %swap3A_311 : vector<1x16xf32> to vector<16xf32>
      %swap3A_313 = vector.shape_cast %mul3A_309 : vector<16xf32> to vector<1x16xf32>
      tpu.vector_store %arg5[%swap3A, %swap3A_310], %swap3A_313 {strides = array<i32>} : memref<64x64xf32, #tpu.memory_space<vmem>>, vector<1x16xf32>,
      %add3A_314 = arith.addf %scan3A_281, %select_n3A_293 : vector<16xf32>
      %select_n3A_315 = arith.select %eq3A_286, %broadcast_in_dim3A_161, %broadcast_in_dim3A_163 : vector<16xi1>, vector<16xi32>
      %add3A_316 = arith.addi %scan3A_282, %select_n3A_315 : vector<16xi32>
      scf.yield %add3A_314, %add3A_316 : vector<16xf32>, vector<16xi32>
    }
    %scan3A_208 = arith.constant 64 : i32
    %div3A_209 = arith.constant 1.000000e+00 : f32
    %div3A_210 = vector.broadcast %div3A_209 : f32 to vector<16xf32>
    %div3A_211 = arith.divf %div3A_210, %scan3A_207#0 : vector<16xf32>
    %scan3A_212 = arith.constant 0 : i32
    %scan3A_213 = arith.constant 0 : i32
    %scan3A_214 = arith.constant 64 : i32
    %scan3A_215 = arith.addi %scan3A_213, %scan3A_214 : i32
    %scan3A_216 = arith.constant 1 : i32
    scf.for %scan3A_280 = %scan3A_213 to %scan3A_215 step %scan3A_216  : i32 {
      %get3A = arith.index_cast %scan3A_280 : i32 to index
      %get3A_281 = arith.constant 32 : index
      %get3A_282 = tpu.vector_load %arg5[%get3A, %get3A_281] {strides = array<i32>} : memref<64x64xf32, #tpu.memory_space<vmem>>, vector<1x16xf32>,
      %get3A_283 = vector.shape_cast %get3A_282 : vector<1x16xf32> to vector<16xf32>
      %mul3A_284 = arith.mulf %get3A_283, %div3A_211 : vector<16xf32>
      %swap3A = arith.index_cast %scan3A_280 : i32 to index
      %swap3A_285 = arith.constant 32 : index
      %swap3A_286 = tpu.vector_load %arg5[%swap3A, %swap3A_285] {strides = array<i32>} : memref<64x64xf32, #tpu.memory_space<vmem>>, vector<1x16xf32>,
      %swap3A_287 = vector.shape_cast %swap3A_286 : vector<1x16xf32> to vector<16xf32>
      %swap3A_288 = vector.shape_cast %mul3A_284 : vector<16xf32> to vector<1x16xf32>
      tpu.vector_store %arg5[%swap3A, %swap3A_285], %swap3A_288 {strides = array<i32>} : memref<64x64xf32, #tpu.memory_space<vmem>>, vector<1x16xf32>,
    }
    %scan3A_217 = arith.constant 64 : i32
    %add3A_218 = arith.constant 48 : i32
    %add3A_219 = arith.addi %mul3A_34, %add3A_218 : i32
    %broadcast_in_dim3A_220 = arith.constant -1.000000e+30 : f32
    %broadcast_in_dim3A_221 = vector.broadcast %broadcast_in_dim3A_220 : f32 to vector<16xf32>
    %broadcast_in_dim3A_222 = arith.constant 1 : i32
    %broadcast_in_dim3A_223 = vector.broadcast %broadcast_in_dim3A_222 : i32 to vector<16xi32>
    %broadcast_in_dim3A_224 = arith.constant 0 : i32
    %broadcast_in_dim3A_225 = vector.broadcast %broadcast_in_dim3A_224 : i32 to vector<16xi32>
    %scan3A_226 = arith.constant 0 : i32
    %scan3A_227 = arith.constant 64 : i32
    %scan3A_228 = arith.addi %scan3A_226, %scan3A_227 : i32
    %scan3A_229 = arith.constant 1 : i32
    %scan3A_230:8 = scf.for %scan3A_280 = %scan3A_226 to %scan3A_228 step %scan3A_229 iter_args(%scan3A_281 = %broadcast_in_dim3A_221, %scan3A_282 = %broadcast_in_dim3A_221, %scan3A_283 = %broadcast_in_dim3A_221, %scan3A_284 = %broadcast_in_dim3A_221, %scan3A_285 = %broadcast_in_dim3A_221, %scan3A_286 = %broadcast_in_dim3A_221, %scan3A_287 = %broadcast_in_dim3A_221, %scan3A_288 = %broadcast_in_dim3A_221) -> (vector<16xf32>, vector<16xf32>, vector<16xf32>, vector<16xf32>, vector<16xf32>, vector<16xf32>, vector<16xf32>, vector<16xf32>)  : i32 {
      %get3A = arith.index_cast %scan3A_280 : i32 to index
      %get3A_289 = arith.index_cast %add3A_219 : i32 to index
      %get3A_290 = tpu.vector_load %arg4[%get3A, %get3A_289] {strides = array<i32>} : memref<128x128xf32, #tpu.memory_space<vmem>>, vector<1x16xf32>,
      %get3A_291 = vector.shape_cast %get3A_290 : vector<1x16xf32> to vector<16xf32>
      %max3A = arith.maximumf %scan3A_281, %get3A_291 : vector<16xf32>
      %min3A = arith.minimumf %scan3A_281, %get3A_291 : vector<16xf32>
      %max3A_292 = arith.maximumf %scan3A_282, %min3A : vector<16xf32>
      %min3A_293 = arith.minimumf %scan3A_282, %min3A : vector<16xf32>
      %max3A_294 = arith.maximumf %scan3A_283, %min3A_293 : vector<16xf32>
      %min3A_295 = arith.minimumf %scan3A_283, %min3A_293 : vector<16xf32>
      %max3A_296 = arith.maximumf %scan3A_284, %min3A_295 : vector<16xf32>
      %min3A_297 = arith.minimumf %scan3A_284, %min3A_295 : vector<16xf32>
      %max3A_298 = arith.maximumf %scan3A_285, %min3A_297 : vector<16xf32>
      %min3A_299 = arith.minimumf %scan3A_285, %min3A_297 : vector<16xf32>
      %max3A_300 = arith.maximumf %scan3A_286, %min3A_299 : vector<16xf32>
      %min3A_301 = arith.minimumf %scan3A_286, %min3A_299 : vector<16xf32>
      %max3A_302 = arith.maximumf %scan3A_287, %min3A_301 : vector<16xf32>
      %min3A_303 = arith.minimumf %scan3A_287, %min3A_301 : vector<16xf32>
      %max3A_304 = arith.maximumf %scan3A_288, %min3A_303 : vector<16xf32>
      %min3A_305 = arith.minimumf %scan3A_288, %min3A_303 : vector<16xf32>
      scf.yield %max3A, %max3A_292, %max3A_294, %max3A_296, %max3A_298, %max3A_300, %max3A_302, %max3A_304 : vector<16xf32>, vector<16xf32>, vector<16xf32>, vector<16xf32>, vector<16xf32>, vector<16xf32>, vector<16xf32>, vector<16xf32>
    }
    %scan3A_231 = arith.constant 64 : i32
    %broadcast_in_dim3A_232 = arith.constant 0 : i32
    %broadcast_in_dim3A_233 = vector.broadcast %broadcast_in_dim3A_232 : i32 to vector<16xi32>
    %gt3A_234 = arith.cmpf ogt, %scan3A_230#0, %scan3A_230#7 : vector<16xf32>
    %select_n3A_235 = arith.select %gt3A_234, %broadcast_in_dim3A_223, %broadcast_in_dim3A_225 : vector<16xi1>, vector<16xi32>
    %add3A_236 = arith.addi %broadcast_in_dim3A_233, %select_n3A_235 : vector<16xi32>
    %gt3A_237 = arith.cmpf ogt, %scan3A_230#1, %scan3A_230#7 : vector<16xf32>
    %select_n3A_238 = arith.select %gt3A_237, %broadcast_in_dim3A_223, %broadcast_in_dim3A_225 : vector<16xi1>, vector<16xi32>
    %add3A_239 = arith.addi %add3A_236, %select_n3A_238 : vector<16xi32>
    %gt3A_240 = arith.cmpf ogt, %scan3A_230#2, %scan3A_230#7 : vector<16xf32>
    %select_n3A_241 = arith.select %gt3A_240, %broadcast_in_dim3A_223, %broadcast_in_dim3A_225 : vector<16xi1>, vector<16xi32>
    %add3A_242 = arith.addi %add3A_239, %select_n3A_241 : vector<16xi32>
    %gt3A_243 = arith.cmpf ogt, %scan3A_230#3, %scan3A_230#7 : vector<16xf32>
    %select_n3A_244 = arith.select %gt3A_243, %broadcast_in_dim3A_223, %broadcast_in_dim3A_225 : vector<16xi1>, vector<16xi32>
    %add3A_245 = arith.addi %add3A_242, %select_n3A_244 : vector<16xi32>
    %gt3A_246 = arith.cmpf ogt, %scan3A_230#4, %scan3A_230#7 : vector<16xf32>
    %select_n3A_247 = arith.select %gt3A_246, %broadcast_in_dim3A_223, %broadcast_in_dim3A_225 : vector<16xi1>, vector<16xi32>
    %add3A_248 = arith.addi %add3A_245, %select_n3A_247 : vector<16xi32>
    %gt3A_249 = arith.cmpf ogt, %scan3A_230#5, %scan3A_230#7 : vector<16xf32>
    %select_n3A_250 = arith.select %gt3A_249, %broadcast_in_dim3A_223, %broadcast_in_dim3A_225 : vector<16xi1>, vector<16xi32>
    %add3A_251 = arith.addi %add3A_248, %select_n3A_250 : vector<16xi32>
    %gt3A_252 = arith.cmpf ogt, %scan3A_230#6, %scan3A_230#7 : vector<16xf32>
    %select_n3A_253 = arith.select %gt3A_252, %broadcast_in_dim3A_223, %broadcast_in_dim3A_225 : vector<16xi1>, vector<16xi32>
    %add3A_254 = arith.addi %add3A_251, %select_n3A_253 : vector<16xi32>
    %gt3A_255 = arith.cmpf ogt, %scan3A_230#7, %scan3A_230#7 : vector<16xf32>
    %select_n3A_256 = arith.select %gt3A_255, %broadcast_in_dim3A_223, %broadcast_in_dim3A_225 : vector<16xi1>, vector<16xi32>
    %add3A_257 = arith.addi %add3A_254, %select_n3A_256 : vector<16xi32>
    %sub3A_258 = arith.constant 8 : i32
    %sub3A_259 = vector.broadcast %sub3A_258 : i32 to vector<16xi32>
    %sub3A_260 = arith.subi %sub3A_259, %add3A_257 : vector<16xi32>
    %broadcast_in_dim3A_261 = arith.constant 0.000000e+00 : f32
    %broadcast_in_dim3A_262 = vector.broadcast %broadcast_in_dim3A_261 : f32 to vector<16xf32>
    %broadcast_in_dim3A_263 = arith.constant 0 : i32
    %broadcast_in_dim3A_264 = vector.broadcast %broadcast_in_dim3A_263 : i32 to vector<16xi32>
    %scan3A_265 = arith.constant 0 : i32
    %scan3A_266 = arith.constant 64 : i32
    %scan3A_267 = arith.addi %scan3A_265, %scan3A_266 : i32
    %scan3A_268 = arith.constant 1 : i32
    %scan3A_269:2 = scf.for %scan3A_280 = %scan3A_265 to %scan3A_267 step %scan3A_268 iter_args(%scan3A_281 = %broadcast_in_dim3A_262, %scan3A_282 = %broadcast_in_dim3A_264) -> (vector<16xf32>, vector<16xi32>)  : i32 {
      %get3A = arith.index_cast %scan3A_280 : i32 to index
      %get3A_283 = arith.index_cast %add3A_219 : i32 to index
      %get3A_284 = tpu.vector_load %arg4[%get3A, %get3A_283] {strides = array<i32>} : memref<128x128xf32, #tpu.memory_space<vmem>>, vector<1x16xf32>,
      %get3A_285 = vector.shape_cast %get3A_284 : vector<1x16xf32> to vector<16xf32>
      %eq3A_286 = arith.cmpf oeq, %get3A_285, %scan3A_230#7 : vector<16xf32>
      %gt3A_287 = arith.cmpf ogt, %get3A_285, %scan3A_230#7 : vector<16xf32>
      %lt3A_288 = arith.cmpi slt, %scan3A_282, %sub3A_260 : vector<16xi32>
      %and3A_289 = arith.andi %eq3A_286, %lt3A_288 : vector<16xi1>
      %or3A = arith.ori %gt3A_287, %and3A_289 : vector<16xi1>
      %sub3A_290 = arith.subf %get3A_285, %scan3A_230#0 : vector<16xf32>
      %exp3A = math.exp %sub3A_290 : vector<16xf32>
      %broadcast_in_dim3A_291 = arith.constant 0.000000e+00 : f32
      %broadcast_in_dim3A_292 = vector.broadcast %broadcast_in_dim3A_291 : f32 to vector<16xf32>
      %select_n3A_293 = arith.select %or3A, %exp3A, %broadcast_in_dim3A_292 : vector<16xi1>, vector<16xf32>
      %add3A_294 = arith.constant 64 : i32
      %add3A_295 = arith.addi %scan3A_280, %add3A_294 : i32
      %get3A_296 = arith.index_cast %add3A_295 : i32 to index
      %get3A_297 = arith.index_cast %add3A_219 : i32 to index
      %get3A_298 = tpu.vector_load %arg4[%get3A_296, %get3A_297] {strides = array<i32>} : memref<128x128xf32, #tpu.memory_space<vmem>>, vector<1x16xf32>,
      %get3A_299 = vector.shape_cast %get3A_298 : vector<1x16xf32> to vector<16xf32>
      %neg3A = arith.constant 0.000000e+00 : f32
      %neg3A_300 = vector.broadcast %neg3A : f32 to vector<16xf32>
      %neg3A_301 = arith.subf %neg3A_300, %get3A_299 : vector<16xf32>
      %exp3A_302 = math.exp %neg3A_301 : vector<16xf32>
      %add3A_303 = arith.constant 1.000000e+00 : f32
      %add3A_304 = vector.broadcast %add3A_303 : f32 to vector<16xf32>
      %add3A_305 = arith.addf %add3A_304, %exp3A_302 : vector<16xf32>
      %div3A_306 = arith.constant 1.000000e+00 : f32
      %div3A_307 = vector.broadcast %div3A_306 : f32 to vector<16xf32>
      %div3A_308 = arith.divf %div3A_307, %add3A_305 : vector<16xf32>
      %mul3A_309 = arith.mulf %select_n3A_293, %div3A_308 : vector<16xf32>
      %swap3A = arith.index_cast %scan3A_280 : i32 to index
      %swap3A_310 = arith.constant 48 : index
      %swap3A_311 = tpu.vector_load %arg5[%swap3A, %swap3A_310] {strides = array<i32>} : memref<64x64xf32, #tpu.memory_space<vmem>>, vector<1x16xf32>,
      %swap3A_312 = vector.shape_cast %swap3A_311 : vector<1x16xf32> to vector<16xf32>
      %swap3A_313 = vector.shape_cast %mul3A_309 : vector<16xf32> to vector<1x16xf32>
      tpu.vector_store %arg5[%swap3A, %swap3A_310], %swap3A_313 {strides = array<i32>} : memref<64x64xf32, #tpu.memory_space<vmem>>, vector<1x16xf32>,
      %add3A_314 = arith.addf %scan3A_281, %select_n3A_293 : vector<16xf32>
      %select_n3A_315 = arith.select %eq3A_286, %broadcast_in_dim3A_223, %broadcast_in_dim3A_225 : vector<16xi1>, vector<16xi32>
      %add3A_316 = arith.addi %scan3A_282, %select_n3A_315 : vector<16xi32>
      scf.yield %add3A_314, %add3A_316 : vector<16xf32>, vector<16xi32>
    }
    %scan3A_270 = arith.constant 64 : i32
    %div3A_271 = arith.constant 1.000000e+00 : f32
    %div3A_272 = vector.broadcast %div3A_271 : f32 to vector<16xf32>
    %div3A_273 = arith.divf %div3A_272, %scan3A_269#0 : vector<16xf32>
    %scan3A_274 = arith.constant 0 : i32
    %scan3A_275 = arith.constant 0 : i32
    %scan3A_276 = arith.constant 64 : i32
    %scan3A_277 = arith.addi %scan3A_275, %scan3A_276 : i32
    %scan3A_278 = arith.constant 1 : i32
    scf.for %scan3A_280 = %scan3A_275 to %scan3A_277 step %scan3A_278  : i32 {
      %get3A = arith.index_cast %scan3A_280 : i32 to index
      %get3A_281 = arith.constant 48 : index
      %get3A_282 = tpu.vector_load %arg5[%get3A, %get3A_281] {strides = array<i32>} : memref<64x64xf32, #tpu.memory_space<vmem>>, vector<1x16xf32>,
      %get3A_283 = vector.shape_cast %get3A_282 : vector<1x16xf32> to vector<16xf32>
      %mul3A_284 = arith.mulf %get3A_283, %div3A_273 : vector<16xf32>
      %swap3A = arith.index_cast %scan3A_280 : i32 to index
      %swap3A_285 = arith.constant 48 : index
      %swap3A_286 = tpu.vector_load %arg5[%swap3A, %swap3A_285] {strides = array<i32>} : memref<64x64xf32, #tpu.memory_space<vmem>>, vector<1x16xf32>,
      %swap3A_287 = vector.shape_cast %swap3A_286 : vector<1x16xf32> to vector<16xf32>
      %swap3A_288 = vector.shape_cast %mul3A_284 : vector<16xf32> to vector<1x16xf32>
      tpu.vector_store %arg5[%swap3A, %swap3A_285], %swap3A_288 {strides = array<i32>} : memref<64x64xf32, #tpu.memory_space<vmem>>, vector<1x16xf32>,
    }
    %scan3A_279 = arith.constant 64 : i32
    "tpu.region"() ({
      %run_scoped3A = tpu.sem_alloc : memref<!tpu.dma_semaphore, #tpu.memory_space<semaphore_mem>>
      %dma_start3A = arith.constant 0 : i32
      %dma_start3A_280 = arith.constant 0 : i32
      %dma_start3A_281 = tpu.memref_slice %arg3[%add3A, %dma_start3A, %dma_start3A_280] : memref<32x64x64xf32, #tpu.memory_space<hbm>> -> memref<1x64x64xf32, #tpu.memory_space<hbm>>
      %dma_start3A_282 = tpu.memref_squeeze %dma_start3A_281 : memref<1x64x64xf32, #tpu.memory_space<hbm>> -> memref<64x64xf32, #tpu.memory_space<hbm>>
      %dma_start3A_283 = arith.constant 0 : i32
      %dma_start3A_284 = arith.constant 0 : i32
      %dma_start3A_285 = tpu.memref_slice %arg3[%add3A, %dma_start3A_283, %dma_start3A_284] : memref<32x64x64xf32, #tpu.memory_space<hbm>> -> memref<1x64x64xf32, #tpu.memory_space<hbm>>
      %dma_start3A_286 = tpu.memref_squeeze %dma_start3A_285 : memref<1x64x64xf32, #tpu.memory_space<hbm>> -> memref<64x64xf32, #tpu.memory_space<hbm>>
      tpu.enqueue_dma source(%arg5 : memref<64x64xf32, #tpu.memory_space<vmem>>) target(%dma_start3A_286 : memref<64x64xf32, #tpu.memory_space<hbm>>) target_semaphore(%run_scoped3A : memref<!tpu.dma_semaphore, #tpu.memory_space<semaphore_mem>>)
      %dma_wait3A = arith.constant 0 : i32
      %dma_wait3A_287 = arith.constant 0 : i32
      %dma_wait3A_288 = tpu.memref_slice %arg3[%add3A, %dma_wait3A, %dma_wait3A_287] : memref<32x64x64xf32, #tpu.memory_space<hbm>> -> memref<1x64x64xf32, #tpu.memory_space<hbm>>
      %dma_wait3A_289 = tpu.memref_squeeze %dma_wait3A_288 : memref<1x64x64xf32, #tpu.memory_space<hbm>> -> memref<64x64xf32, #tpu.memory_space<hbm>>
      %dma_wait3A_290 = arith.constant 0 : i32
      %dma_wait3A_291 = arith.constant 0 : i32
      %dma_wait3A_292 = tpu.memref_slice %arg3[%add3A, %dma_wait3A_290, %dma_wait3A_291] : memref<32x64x64xf32, #tpu.memory_space<hbm>> -> memref<1x64x64xf32, #tpu.memory_space<hbm>>
      %dma_wait3A_293 = tpu.memref_squeeze %dma_wait3A_292 : memref<1x64x64xf32, #tpu.memory_space<hbm>> -> memref<64x64xf32, #tpu.memory_space<hbm>>
      tpu.wait_dma2 semaphore(%run_scoped3A : memref<!tpu.dma_semaphore, #tpu.memory_space<semaphore_mem>>) src(%arg5 : memref<64x64xf32, #tpu.memory_space<vmem>>) dst(%dma_wait3A_293 : memref<64x64xf32, #tpu.memory_space<hbm>>)
      tpu.yield
    }) : () -> ()
    return
  }
}

module attributes {stable_mosaic.version = 14 : i64} {
  func.func @_logits_body(%arg0: i32, %arg1: memref<256x1024xf32, #tpu.memory_space<vmem>>, %arg2: memref<1024x64xf32, #tpu.memory_space<vmem>>, %arg3: memref<1x64xf32, #tpu.memory_space<vmem>>, %arg4: memref<1024x64xf32, #tpu.memory_space<vmem>>, %arg5: memref<1x64xf32, #tpu.memory_space<vmem>>, %arg6: memref<64x64xf32, #tpu.memory_space<vmem>>, %arg7: memref<128x256xf32, #tpu.memory_space<vmem>>) attributes {dimension_semantics = [#tpu.dimension_semantics<arbitrary>], iteration_bounds = array<i64: 8>, scalar_prefetch = 0 : i64, scratch_operands = 0 : i64, tpu.core_type = #tpu.core_type<tc>, window_params = [{transform_indices = @transform_0, window_bounds = array<i64: 256, 1024>}, {pipeline_mode = #tpu.pipeline_mode<synchronous>, transform_indices = @transform_1, window_bounds = array<i64: 1024, 64>}, {pipeline_mode = #tpu.pipeline_mode<synchronous>, transform_indices = @transform_2, window_bounds = array<i64: 1, 64>}, {pipeline_mode = #tpu.pipeline_mode<synchronous>, transform_indices = @transform_3, window_bounds = array<i64: 1024, 64>}, {pipeline_mode = #tpu.pipeline_mode<synchronous>, transform_indices = @transform_4, window_bounds = array<i64: 1, 64>}, {pipeline_mode = #tpu.pipeline_mode<synchronous>, transform_indices = @transform_5, window_bounds = array<i64: 64, 64>}, {transform_indices = @transform_6, window_bounds = array<i64: 128, 256>}]} {
    %get3A = arith.constant 0 : index
    %get3A_0 = arith.constant 0 : index
    %get3A_1 = vector.load %arg1[%get3A, %get3A_0] : memref<256x1024xf32, #tpu.memory_space<vmem>>, vector<256x1024xf32>
    %get3A_2 = arith.constant 0 : index
    %get3A_3 = arith.constant 0 : index
    %get3A_4 = vector.load %arg2[%get3A_2, %get3A_3] : memref<1024x64xf32, #tpu.memory_space<vmem>>, vector<1024x64xf32>
    %dot_general3A = arith.constant dense<0.000000e+00> : vector<256x64xf32>
    %dot_general3A_5 = tpu.matmul %get3A_1, %get3A_4, %dot_general3A {dimension_numbers = #tpu.dot_dimension_numbers<[1], [0], [0], [1], [0, 0, 1, 1], [], []>, transpose_lhs_hint = false} : vector<256x1024xf32>, vector<1024x64xf32>, vector<256x64xf32> -> vector<256x64xf32>
    %get3A_6 = arith.constant 0 : index
    %get3A_7 = arith.constant 0 : index
    %get3A_8 = vector.load %arg3[%get3A_6, %get3A_7] : memref<1x64xf32, #tpu.memory_space<vmem>>, vector<1x64xf32>
    %add3A = vector.broadcast %get3A_8 : vector<1x64xf32> to vector<256x64xf32>
    %add3A_9 = arith.addf %dot_general3A_5, %add3A : vector<256x64xf32>
    %get3A_10 = arith.constant 0 : index
    %get3A_11 = arith.constant 0 : index
    %get3A_12 = vector.load %arg4[%get3A_10, %get3A_11] : memref<1024x64xf32, #tpu.memory_space<vmem>>, vector<1024x64xf32>
    %dot_general3A_13 = arith.constant dense<0.000000e+00> : vector<256x64xf32>
    %dot_general3A_14 = tpu.matmul %get3A_1, %get3A_12, %dot_general3A_13 {dimension_numbers = #tpu.dot_dimension_numbers<[1], [0], [0], [1], [0, 0, 1, 1], [], []>, transpose_lhs_hint = false} : vector<256x1024xf32>, vector<1024x64xf32>, vector<256x64xf32> -> vector<256x64xf32>
    %get3A_15 = arith.constant 0 : index
    %get3A_16 = arith.constant 0 : index
    %get3A_17 = vector.load %arg5[%get3A_15, %get3A_16] : memref<1x64xf32, #tpu.memory_space<vmem>>, vector<1x64xf32>
    %add3A_18 = vector.broadcast %get3A_17 : vector<1x64xf32> to vector<256x64xf32>
    %add3A_19 = arith.addf %dot_general3A_14, %add3A_18 : vector<256x64xf32>
    %get3A_20 = arith.constant 0 : index
    %get3A_21 = arith.constant 0 : index
    %get3A_22 = vector.load %arg6[%get3A_20, %get3A_21] : memref<64x64xf32, #tpu.memory_space<vmem>>, vector<64x64xf32>
    %dot_general3A_23 = arith.constant dense<0.000000e+00> : vector<256x64xf32>
    %dot_general3A_24 = tpu.matmul %add3A_19, %get3A_22, %dot_general3A_23 {dimension_numbers = #tpu.dot_dimension_numbers<[1], [1], [0], [0], [0, 0, 1, 0], [], []>, transpose_lhs_hint = false} : vector<256x64xf32>, vector<64x64xf32>, vector<256x64xf32> -> vector<256x64xf32>
    %transpose3A = tpu.transpose %add3A_9, [1, 0] : vector<256x64xf32> -> vector<64x256xf32>
    %transpose3A_25 = tpu.transpose %dot_general3A_24, [1, 0] : vector<256x64xf32> -> vector<64x256xf32>
    %concatenate3A = tpu.concatenate %transpose3A, %transpose3A_25 in 0 : vector<64x256xf32>, vector<64x256xf32> -> vector<128x256xf32>
    %swap3A = arith.constant 0 : index
    %swap3A_26 = arith.constant 0 : index
    %swap3A_27 = vector.load %arg7[%swap3A, %swap3A_26] : memref<128x256xf32, #tpu.memory_space<vmem>>, vector<128x256xf32>
    tpu.vector_store %arg7[%swap3A, %swap3A_26], %concatenate3A {strides = array<i32>} : memref<128x256xf32, #tpu.memory_space<vmem>>, vector<128x256xf32>,
    return
  }
  func.func @transform_0(%arg0: i32) -> (i32, i32) {
    %c0_i32 = arith.constant 0 : i32
    %c0_i32_0 = arith.constant 0 : i32
    return %arg0, %c0_i32 : i32, i32
  }
  func.func @transform_1(%arg0: i32) -> (i32, i32) {
    %c0_i32 = arith.constant 0 : i32
    %c0_i32_0 = arith.constant 0 : i32
    %c0_i32_1 = arith.constant 0 : i32
    return %c0_i32, %c0_i32_0 : i32, i32
  }
  func.func @transform_2(%arg0: i32) -> (i32, i32) {
    %c0_i32 = arith.constant 0 : i32
    %c0_i32_0 = arith.constant 0 : i32
    %c0_i32_1 = arith.constant 0 : i32
    return %c0_i32, %c0_i32_0 : i32, i32
  }
  func.func @transform_3(%arg0: i32) -> (i32, i32) {
    %c0_i32 = arith.constant 0 : i32
    %c0_i32_0 = arith.constant 0 : i32
    %c0_i32_1 = arith.constant 0 : i32
    return %c0_i32, %c0_i32_0 : i32, i32
  }
  func.func @transform_4(%arg0: i32) -> (i32, i32) {
    %c0_i32 = arith.constant 0 : i32
    %c0_i32_0 = arith.constant 0 : i32
    %c0_i32_1 = arith.constant 0 : i32
    return %c0_i32, %c0_i32_0 : i32, i32
  }
  func.func @transform_5(%arg0: i32) -> (i32, i32) {
    %c0_i32 = arith.constant 0 : i32
    %c0_i32_0 = arith.constant 0 : i32
    %c0_i32_1 = arith.constant 0 : i32
    return %c0_i32, %c0_i32_0 : i32, i32
  }
  func.func @transform_6(%arg0: i32) -> (i32, i32) {
    %c0_i32 = arith.constant 0 : i32
    %c0_i32_0 = arith.constant 0 : i32
    return %c0_i32, %arg0 : i32, i32
  }
}

module attributes {stable_mosaic.version = 14 : i64} {
  func.func @_pool_body(%arg0: i32, %arg1: memref<512x1024xf32, #tpu.memory_space<vmem>>, %arg2: memref<8x64x64xf32, #tpu.memory_space<vmem>>, %arg3: memref<64x2048xbf16, #tpu.memory_space<vmem>>, %arg4: memref<1024x2048xbf16, #tpu.memory_space<vmem>>, %arg5: memref<1x2048xf32, #tpu.memory_space<vmem>>, %arg6: memref<2048x1024xbf16, #tpu.memory_space<vmem>>, %arg7: memref<1x1024xf32, #tpu.memory_space<vmem>>, %arg8: memref<1024x3072xbf16, #tpu.memory_space<vmem>>, %arg9: memref<1x3072xf32, #tpu.memory_space<vmem>>, %arg10: memref<512x1024xf32, #tpu.memory_space<vmem>>, %arg11: memref<512x3072xbf16, #tpu.memory_space<vmem>>) attributes {dimension_semantics = [#tpu.dimension_semantics<arbitrary>], iteration_bounds = array<i64: 4>, scalar_prefetch = 0 : i64, scratch_operands = 0 : i64, tpu.core_type = #tpu.core_type<tc>, window_params = [{transform_indices = @transform_0, window_bounds = array<i64: 512, 1024>}, {transform_indices = @transform_1, window_bounds = array<i64: 8, 64, 64>}, {pipeline_mode = #tpu.pipeline_mode<synchronous>, transform_indices = @transform_2, window_bounds = array<i64: 64, 2048>}, {pipeline_mode = #tpu.pipeline_mode<synchronous>, transform_indices = @transform_3, window_bounds = array<i64: 1024, 2048>}, {pipeline_mode = #tpu.pipeline_mode<synchronous>, transform_indices = @transform_4, window_bounds = array<i64: 1, 2048>}, {pipeline_mode = #tpu.pipeline_mode<synchronous>, transform_indices = @transform_5, window_bounds = array<i64: 2048, 1024>}, {pipeline_mode = #tpu.pipeline_mode<synchronous>, transform_indices = @transform_6, window_bounds = array<i64: 1, 1024>}, {pipeline_mode = #tpu.pipeline_mode<synchronous>, transform_indices = @transform_7, window_bounds = array<i64: 1024, 3072>}, {pipeline_mode = #tpu.pipeline_mode<synchronous>, transform_indices = @transform_8, window_bounds = array<i64: 1, 3072>}, {transform_indices = @transform_9, window_bounds = array<i64: 512, 1024>}, {transform_indices = @transform_10, window_bounds = array<i64: 512, 3072>}]} {
    %get3A = arith.constant 0 : index
    %get3A_0 = arith.constant 0 : index
    %get3A_1 = vector.load %arg1[%get3A, %get3A_0] : memref<512x1024xf32, #tpu.memory_space<vmem>>, vector<512x1024xf32>
    %convert_element_type3A = arith.truncf %get3A_1 : vector<512x1024xf32> to vector<512x1024xbf16>
    %get3A_2 = arith.constant 0 : index
    %get3A_3 = arith.constant 0 : index
    %get3A_4 = vector.load %arg4[%get3A_2, %get3A_3] : memref<1024x2048xbf16, #tpu.memory_space<vmem>>, vector<1024x2048xbf16>
    %dot_general3A = arith.constant dense<0.000000e+00> : vector<512x2048xf32>
    %dot_general3A_5 = tpu.matmul %convert_element_type3A, %get3A_4, %dot_general3A {dimension_numbers = #tpu.dot_dimension_numbers<[1], [0], [0], [1], [0, 0, 1, 1], [], []>, transpose_lhs_hint = false} : vector<512x1024xbf16>, vector<1024x2048xbf16>, vector<512x2048xf32> -> vector<512x2048xf32>
    %get3A_6 = arith.constant 0 : index
    %get3A_7 = arith.constant 0 : index
    %get3A_8 = vector.load %arg5[%get3A_6, %get3A_7] : memref<1x2048xf32, #tpu.memory_space<vmem>>, vector<1x2048xf32>
    %add3A = vector.broadcast %get3A_8 : vector<1x2048xf32> to vector<512x2048xf32>
    %add3A_9 = arith.addf %dot_general3A_5, %add3A : vector<512x2048xf32>
    %convert_element_type3A_10 = arith.truncf %add3A_9 : vector<512x2048xf32> to vector<512x2048xbf16>
    %integer_pow3A = arith.mulf %convert_element_type3A_10, %convert_element_type3A_10 : vector<512x2048xbf16>
    %integer_pow3A_11 = arith.mulf %convert_element_type3A_10, %integer_pow3A : vector<512x2048xbf16>
    %mul3A = arith.constant 4.467770e-02 : bf16
    %mul3A_12 = vector.broadcast %mul3A : bf16 to vector<512x2048xbf16>
    %mul3A_13 = arith.mulf %mul3A_12, %integer_pow3A_11 : vector<512x2048xbf16>
    %add3A_14 = arith.addf %convert_element_type3A_10, %mul3A_13 : vector<512x2048xbf16>
    %mul3A_15 = arith.constant 7.968750e-01 : bf16
    %mul3A_16 = vector.broadcast %mul3A_15 : bf16 to vector<512x2048xbf16>
    %mul3A_17 = arith.mulf %mul3A_16, %add3A_14 : vector<512x2048xbf16>
    %tanh3A = math.tanh %mul3A_17 : vector<512x2048xbf16>
    %add3A_18 = arith.constant 1.000000e+00 : bf16
    %add3A_19 = vector.broadcast %add3A_18 : bf16 to vector<512x2048xbf16>
    %add3A_20 = arith.addf %add3A_19, %tanh3A : vector<512x2048xbf16>
    %mul3A_21 = arith.constant 5.000000e-01 : bf16
    %mul3A_22 = vector.broadcast %mul3A_21 : bf16 to vector<512x2048xbf16>
    %mul3A_23 = arith.mulf %mul3A_22, %add3A_20 : vector<512x2048xbf16>
    %mul3A_24 = arith.mulf %convert_element_type3A_10, %mul3A_23 : vector<512x2048xbf16>
    %get3A_25 = arith.constant 0 : index
    %get3A_26 = arith.constant 0 : index
    %get3A_27 = arith.constant 0 : index
    %get3A_28 = vector.load %arg2[%get3A_25, %get3A_26, %get3A_27] : memref<8x64x64xf32, #tpu.memory_space<vmem>>, vector<8x64x64xf32>
    %transpose3A = tpu.transpose %get3A_28, [0, 2, 1] : vector<8x64x64xf32> -> vector<8x64x64xf32>
    %reshape3A = vector.shape_cast %transpose3A : vector<8x64x64xf32> to vector<512x64xf32>
    %convert_element_type3A_29 = arith.truncf %reshape3A : vector<512x64xf32> to vector<512x64xbf16>
    %get3A_30 = arith.constant 0 : index
    %get3A_31 = arith.constant 0 : index
    %get3A_32 = vector.load %arg3[%get3A_30, %get3A_31] : memref<64x2048xbf16, #tpu.memory_space<vmem>>, vector<64x2048xbf16>
    %dot_general3A_33 = arith.constant dense<0.000000e+00> : vector<512x2048xf32>
    %dot_general3A_34 = tpu.matmul %convert_element_type3A_29, %get3A_32, %dot_general3A_33 {dimension_numbers = #tpu.dot_dimension_numbers<[1], [0], [0], [1], [0, 0, 1, 1], [], []>, transpose_lhs_hint = false} : vector<512x64xbf16>, vector<64x2048xbf16>, vector<512x2048xf32> -> vector<512x2048xf32>
    %convert_element_type3A_35 = arith.extf %mul3A_24 : vector<512x2048xbf16> to vector<512x2048xf32>
    %mul3A_36 = arith.mulf %convert_element_type3A_35, %dot_general3A_34 : vector<512x2048xf32>
    %convert_element_type3A_37 = arith.truncf %mul3A_36 : vector<512x2048xf32> to vector<512x2048xbf16>
    %get3A_38 = arith.constant 0 : index
    %get3A_39 = arith.constant 0 : index
    %get3A_40 = vector.load %arg6[%get3A_38, %get3A_39] : memref<2048x1024xbf16, #tpu.memory_space<vmem>>, vector<2048x1024xbf16>
    %dot_general3A_41 = arith.constant dense<0.000000e+00> : vector<512x1024xf32>
    %dot_general3A_42 = tpu.matmul %convert_element_type3A_37, %get3A_40, %dot_general3A_41 {dimension_numbers = #tpu.dot_dimension_numbers<[1], [0], [0], [1], [0, 0, 1, 1], [], []>, transpose_lhs_hint = false} : vector<512x2048xbf16>, vector<2048x1024xbf16>, vector<512x1024xf32> -> vector<512x1024xf32>
    %get3A_43 = arith.constant 0 : index
    %get3A_44 = arith.constant 0 : index
    %get3A_45 = vector.load %arg7[%get3A_43, %get3A_44] : memref<1x1024xf32, #tpu.memory_space<vmem>>, vector<1x1024xf32>
    %add3A_46 = vector.broadcast %get3A_45 : vector<1x1024xf32> to vector<512x1024xf32>
    %add3A_47 = arith.addf %dot_general3A_42, %add3A_46 : vector<512x1024xf32>
    %swap3A = arith.constant 0 : index
    %swap3A_48 = arith.constant 0 : index
    %swap3A_49 = vector.load %arg10[%swap3A, %swap3A_48] : memref<512x1024xf32, #tpu.memory_space<vmem>>, vector<512x1024xf32>
    tpu.vector_store %arg10[%swap3A, %swap3A_48], %add3A_47 {strides = array<i32>} : memref<512x1024xf32, #tpu.memory_space<vmem>>, vector<512x1024xf32>,
    %convert_element_type3A_50 = arith.truncf %add3A_47 : vector<512x1024xf32> to vector<512x1024xbf16>
    %get3A_51 = arith.constant 0 : index
    %get3A_52 = arith.constant 0 : index
    %get3A_53 = vector.load %arg8[%get3A_51, %get3A_52] : memref<1024x3072xbf16, #tpu.memory_space<vmem>>, vector<1024x3072xbf16>
    %dot_general3A_54 = arith.constant dense<0.000000e+00> : vector<512x3072xf32>
    %dot_general3A_55 = tpu.matmul %convert_element_type3A_50, %get3A_53, %dot_general3A_54 {dimension_numbers = #tpu.dot_dimension_numbers<[1], [0], [0], [1], [0, 0, 1, 1], [], []>, transpose_lhs_hint = false} : vector<512x1024xbf16>, vector<1024x3072xbf16>, vector<512x3072xf32> -> vector<512x3072xf32>
    %get3A_56 = arith.constant 0 : index
    %get3A_57 = arith.constant 0 : index
    %get3A_58 = vector.load %arg9[%get3A_56, %get3A_57] : memref<1x3072xf32, #tpu.memory_space<vmem>>, vector<1x3072xf32>
    %add3A_59 = vector.broadcast %get3A_58 : vector<1x3072xf32> to vector<512x3072xf32>
    %add3A_60 = arith.addf %dot_general3A_55, %add3A_59 : vector<512x3072xf32>
    %convert_element_type3A_61 = arith.truncf %add3A_60 : vector<512x3072xf32> to vector<512x3072xbf16>
    %swap3A_62 = arith.constant 0 : index
    %swap3A_63 = arith.constant 0 : index
    %swap3A_64 = vector.load %arg11[%swap3A_62, %swap3A_63] : memref<512x3072xbf16, #tpu.memory_space<vmem>>, vector<512x3072xbf16>
    tpu.vector_store %arg11[%swap3A_62, %swap3A_63], %convert_element_type3A_61 {strides = array<i32>} : memref<512x3072xbf16, #tpu.memory_space<vmem>>, vector<512x3072xbf16>,
    return
  }
  func.func @transform_0(%arg0: i32) -> (i32, i32) {
    %c0_i32 = arith.constant 0 : i32
    %c0_i32_0 = arith.constant 0 : i32
    return %arg0, %c0_i32 : i32, i32
  }
  func.func @transform_1(%arg0: i32) -> (i32, i32, i32) {
    %c0_i32 = arith.constant 0 : i32
    %c0_i32_0 = arith.constant 0 : i32
    %c0_i32_1 = arith.constant 0 : i32
    return %arg0, %c0_i32, %c0_i32_0 : i32, i32, i32
  }
  func.func @transform_2(%arg0: i32) -> (i32, i32) {
    %c0_i32 = arith.constant 0 : i32
    %c0_i32_0 = arith.constant 0 : i32
    %c0_i32_1 = arith.constant 0 : i32
    return %c0_i32, %c0_i32_0 : i32, i32
  }
  func.func @transform_3(%arg0: i32) -> (i32, i32) {
    %c0_i32 = arith.constant 0 : i32
    %c0_i32_0 = arith.constant 0 : i32
    %c0_i32_1 = arith.constant 0 : i32
    return %c0_i32, %c0_i32_0 : i32, i32
  }
  func.func @transform_4(%arg0: i32) -> (i32, i32) {
    %c0_i32 = arith.constant 0 : i32
    %c0_i32_0 = arith.constant 0 : i32
    %c0_i32_1 = arith.constant 0 : i32
    return %c0_i32, %c0_i32_0 : i32, i32
  }
  func.func @transform_5(%arg0: i32) -> (i32, i32) {
    %c0_i32 = arith.constant 0 : i32
    %c0_i32_0 = arith.constant 0 : i32
    %c0_i32_1 = arith.constant 0 : i32
    return %c0_i32, %c0_i32_0 : i32, i32
  }
  func.func @transform_6(%arg0: i32) -> (i32, i32) {
    %c0_i32 = arith.constant 0 : i32
    %c0_i32_0 = arith.constant 0 : i32
    %c0_i32_1 = arith.constant 0 : i32
    return %c0_i32, %c0_i32_0 : i32, i32
  }
  func.func @transform_7(%arg0: i32) -> (i32, i32) {
    %c0_i32 = arith.constant 0 : i32
    %c0_i32_0 = arith.constant 0 : i32
    %c0_i32_1 = arith.constant 0 : i32
    return %c0_i32, %c0_i32_0 : i32, i32
  }
  func.func @transform_8(%arg0: i32) -> (i32, i32) {
    %c0_i32 = arith.constant 0 : i32
    %c0_i32_0 = arith.constant 0 : i32
    %c0_i32_1 = arith.constant 0 : i32
    return %c0_i32, %c0_i32_0 : i32, i32
  }
  func.func @transform_9(%arg0: i32) -> (i32, i32) {
    %c0_i32 = arith.constant 0 : i32
    %c0_i32_0 = arith.constant 0 : i32
    return %arg0, %c0_i32 : i32, i32
  }
  func.func @transform_10(%arg0: i32) -> (i32, i32) {
    %c0_i32 = arith.constant 0 : i32
    %c0_i32_0 = arith.constant 0 : i32
    return %arg0, %c0_i32 : i32, i32
  }
}

module attributes {stable_mosaic.version = 14 : i64} {
  func.func @_attn_body(%arg0: i32, %arg1: memref<256x1024xbf16, #tpu.memory_space<vmem>>, %arg2: memref<2048x1024xbf16, #tpu.memory_space<vmem>>, %arg3: memref<2048x1024xbf16, #tpu.memory_space<vmem>>, %arg4: memref<1024x1024xbf16, #tpu.memory_space<vmem>>, %arg5: memref<1x1024xf32, #tpu.memory_space<vmem>>, %arg6: memref<256x1024xf32, #tpu.memory_space<vmem>>, %arg7: memref<256x1024xf32, #tpu.memory_space<vmem>>, %arg8: memref<1x1024xf32, #tpu.memory_space<vmem>>, %arg9: memref<1x1024xf32, #tpu.memory_space<vmem>>, %arg10: memref<1x1024xf32, #tpu.memory_space<vmem>>, %arg11: memref<1x1024xf32, #tpu.memory_space<vmem>>, %arg12: memref<256x1024xf32, #tpu.memory_space<vmem>>) attributes {dimension_semantics = [#tpu.dimension_semantics<arbitrary>], iteration_bounds = array<i64: 8>, scalar_prefetch = 0 : i64, scratch_operands = 0 : i64, tpu.core_type = #tpu.core_type<tc>, window_params = [{transform_indices = @transform_0, window_bounds = array<i64: 256, 1024>}, {transform_indices = @transform_1, window_bounds = array<i64: 2048, 1024>}, {transform_indices = @transform_2, window_bounds = array<i64: 2048, 1024>}, {pipeline_mode = #tpu.pipeline_mode<synchronous>, transform_indices = @transform_3, window_bounds = array<i64: 1024, 1024>}, {pipeline_mode = #tpu.pipeline_mode<synchronous>, transform_indices = @transform_4, window_bounds = array<i64: 1, 1024>}, {transform_indices = @transform_5, window_bounds = array<i64: 256, 1024>}, {transform_indices = @transform_6, window_bounds = array<i64: 256, 1024>}, {pipeline_mode = #tpu.pipeline_mode<synchronous>, transform_indices = @transform_7, window_bounds = array<i64: 1, 1024>}, {pipeline_mode = #tpu.pipeline_mode<synchronous>, transform_indices = @transform_8, window_bounds = array<i64: 1, 1024>}, {pipeline_mode = #tpu.pipeline_mode<synchronous>, transform_indices = @transform_9, window_bounds = array<i64: 1, 1024>}, {pipeline_mode = #tpu.pipeline_mode<synchronous>, transform_indices = @transform_10, window_bounds = array<i64: 1, 1024>}, {transform_indices = @transform_11, window_bounds = array<i64: 256, 1024>}]} {
    %get3A = arith.constant 0 : index
    %get3A_0 = arith.constant 0 : index
    %get3A_1 = vector.load %arg1[%get3A, %get3A_0] : memref<256x1024xbf16, #tpu.memory_space<vmem>>, vector<256x1024xbf16>
    %mul3A = arith.constant 1.250000e-01 : bf16
    %mul3A_2 = vector.broadcast %mul3A : bf16 to vector<256x1024xbf16>
    %mul3A_3 = arith.mulf %get3A_1, %mul3A_2 : vector<256x1024xbf16>
    %get3A_4 = arith.constant 0 : index
    %get3A_5 = arith.constant 0 : index
    %get3A_6 = vector.load %arg2[%get3A_4, %get3A_5] : memref<2048x1024xbf16, #tpu.memory_space<vmem>>, vector<2048x1024xbf16>
    %get3A_7 = arith.constant 0 : index
    %get3A_8 = arith.constant 0 : index
    %get3A_9 = vector.load %arg3[%get3A_7, %get3A_8] : memref<2048x1024xbf16, #tpu.memory_space<vmem>>, vector<2048x1024xbf16>
    %slice3A = vector.extract_strided_slice %mul3A_3 {offsets = [0, 0], sizes = [256, 64], strides = [1, 1]} : vector<256x1024xbf16> to vector<256x64xbf16>
    %slice3A_10 = vector.extract_strided_slice %get3A_6 {offsets = [0, 0], sizes = [2048, 64], strides = [1, 1]} : vector<2048x1024xbf16> to vector<2048x64xbf16>
    %dot_general3A = arith.constant dense<0.000000e+00> : vector<256x2048xf32>
    %dot_general3A_11 = tpu.matmul %slice3A, %slice3A_10, %dot_general3A {dimension_numbers = #tpu.dot_dimension_numbers<[1], [1], [0], [0], [0, 0, 1, 0], [], []>, transpose_lhs_hint = false} : vector<256x64xbf16>, vector<2048x64xbf16>, vector<256x2048xf32> -> vector<256x2048xf32>
    %convert_element_type3A = arith.truncf %dot_general3A_11 : vector<256x2048xf32> to vector<256x2048xbf16>
    %reduce_max3A = arith.constant dense<0xFF80> : vector<256xbf16>
    %reduce_max3A_12 = vector.multi_reduction <maximumf>, %convert_element_type3A, %reduce_max3A [1] : vector<256x2048xbf16> to vector<256xbf16>
    %broadcast_in_dim3A = vector.shape_cast %reduce_max3A_12 : vector<256xbf16> to vector<256x1xbf16>
    %sub3A = vector.broadcast %broadcast_in_dim3A : vector<256x1xbf16> to vector<256x2048xbf16>
    %sub3A_13 = arith.subf %convert_element_type3A, %sub3A : vector<256x2048xbf16>
    %exp3A = math.exp %sub3A_13 : vector<256x2048xbf16>
    %convert_element_type3A_14 = arith.extf %exp3A : vector<256x2048xbf16> to vector<256x2048xf32>
    %reduce_sum3A = arith.constant dense<0.000000e+00> : vector<256xf32>
    %reduce_sum3A_15 = vector.multi_reduction <add>, %convert_element_type3A_14, %reduce_sum3A [1] : vector<256x2048xf32> to vector<256xf32>
    %broadcast_in_dim3A_16 = vector.shape_cast %reduce_sum3A_15 : vector<256xf32> to vector<256x1xf32>
    %convert_element_type3A_17 = arith.truncf %broadcast_in_dim3A_16 : vector<256x1xf32> to vector<256x1xbf16>
    %slice3A_18 = vector.extract_strided_slice %get3A_9 {offsets = [0, 0], sizes = [2048, 64], strides = [1, 1]} : vector<2048x1024xbf16> to vector<2048x64xbf16>
    %dot_general3A_19 = arith.constant dense<0.000000e+00> : vector<256x64xf32>
    %dot_general3A_20 = tpu.matmul %exp3A, %slice3A_18, %dot_general3A_19 {dimension_numbers = #tpu.dot_dimension_numbers<[1], [0], [0], [1], [0, 0, 1, 1], [], []>, transpose_lhs_hint = false} : vector<256x2048xbf16>, vector<2048x64xbf16>, vector<256x64xf32> -> vector<256x64xf32>
    %convert_element_type3A_21 = arith.extf %convert_element_type3A_17 : vector<256x1xbf16> to vector<256x1xf32>
    %div3A = vector.broadcast %convert_element_type3A_21 : vector<256x1xf32> to vector<256x64xf32>
    %div3A_22 = arith.divf %dot_general3A_20, %div3A : vector<256x64xf32>
    %convert_element_type3A_23 = arith.truncf %div3A_22 : vector<256x64xf32> to vector<256x64xbf16>
    %slice3A_24 = vector.extract_strided_slice %mul3A_3 {offsets = [0, 64], sizes = [256, 64], strides = [1, 1]} : vector<256x1024xbf16> to vector<256x64xbf16>
    %slice3A_25 = vector.extract_strided_slice %get3A_6 {offsets = [0, 64], sizes = [2048, 64], strides = [1, 1]} : vector<2048x1024xbf16> to vector<2048x64xbf16>
    %dot_general3A_26 = arith.constant dense<0.000000e+00> : vector<256x2048xf32>
    %dot_general3A_27 = tpu.matmul %slice3A_24, %slice3A_25, %dot_general3A_26 {dimension_numbers = #tpu.dot_dimension_numbers<[1], [1], [0], [0], [0, 0, 1, 0], [], []>, transpose_lhs_hint = false} : vector<256x64xbf16>, vector<2048x64xbf16>, vector<256x2048xf32> -> vector<256x2048xf32>
    %convert_element_type3A_28 = arith.truncf %dot_general3A_27 : vector<256x2048xf32> to vector<256x2048xbf16>
    %reduce_max3A_29 = arith.constant dense<0xFF80> : vector<256xbf16>
    %reduce_max3A_30 = vector.multi_reduction <maximumf>, %convert_element_type3A_28, %reduce_max3A_29 [1] : vector<256x2048xbf16> to vector<256xbf16>
    %broadcast_in_dim3A_31 = vector.shape_cast %reduce_max3A_30 : vector<256xbf16> to vector<256x1xbf16>
    %sub3A_32 = vector.broadcast %broadcast_in_dim3A_31 : vector<256x1xbf16> to vector<256x2048xbf16>
    %sub3A_33 = arith.subf %convert_element_type3A_28, %sub3A_32 : vector<256x2048xbf16>
    %exp3A_34 = math.exp %sub3A_33 : vector<256x2048xbf16>
    %convert_element_type3A_35 = arith.extf %exp3A_34 : vector<256x2048xbf16> to vector<256x2048xf32>
    %reduce_sum3A_36 = arith.constant dense<0.000000e+00> : vector<256xf32>
    %reduce_sum3A_37 = vector.multi_reduction <add>, %convert_element_type3A_35, %reduce_sum3A_36 [1] : vector<256x2048xf32> to vector<256xf32>
    %broadcast_in_dim3A_38 = vector.shape_cast %reduce_sum3A_37 : vector<256xf32> to vector<256x1xf32>
    %convert_element_type3A_39 = arith.truncf %broadcast_in_dim3A_38 : vector<256x1xf32> to vector<256x1xbf16>
    %slice3A_40 = vector.extract_strided_slice %get3A_9 {offsets = [0, 64], sizes = [2048, 64], strides = [1, 1]} : vector<2048x1024xbf16> to vector<2048x64xbf16>
    %dot_general3A_41 = arith.constant dense<0.000000e+00> : vector<256x64xf32>
    %dot_general3A_42 = tpu.matmul %exp3A_34, %slice3A_40, %dot_general3A_41 {dimension_numbers = #tpu.dot_dimension_numbers<[1], [0], [0], [1], [0, 0, 1, 1], [], []>, transpose_lhs_hint = false} : vector<256x2048xbf16>, vector<2048x64xbf16>, vector<256x64xf32> -> vector<256x64xf32>
    %convert_element_type3A_43 = arith.extf %convert_element_type3A_39 : vector<256x1xbf16> to vector<256x1xf32>
    %div3A_44 = vector.broadcast %convert_element_type3A_43 : vector<256x1xf32> to vector<256x64xf32>
    %div3A_45 = arith.divf %dot_general3A_42, %div3A_44 : vector<256x64xf32>
    %convert_element_type3A_46 = arith.truncf %div3A_45 : vector<256x64xf32> to vector<256x64xbf16>
    %slice3A_47 = vector.extract_strided_slice %mul3A_3 {offsets = [0, 128], sizes = [256, 64], strides = [1, 1]} : vector<256x1024xbf16> to vector<256x64xbf16>
    %slice3A_48 = vector.extract_strided_slice %get3A_6 {offsets = [0, 128], sizes = [2048, 64], strides = [1, 1]} : vector<2048x1024xbf16> to vector<2048x64xbf16>
    %dot_general3A_49 = arith.constant dense<0.000000e+00> : vector<256x2048xf32>
    %dot_general3A_50 = tpu.matmul %slice3A_47, %slice3A_48, %dot_general3A_49 {dimension_numbers = #tpu.dot_dimension_numbers<[1], [1], [0], [0], [0, 0, 1, 0], [], []>, transpose_lhs_hint = false} : vector<256x64xbf16>, vector<2048x64xbf16>, vector<256x2048xf32> -> vector<256x2048xf32>
    %convert_element_type3A_51 = arith.truncf %dot_general3A_50 : vector<256x2048xf32> to vector<256x2048xbf16>
    %reduce_max3A_52 = arith.constant dense<0xFF80> : vector<256xbf16>
    %reduce_max3A_53 = vector.multi_reduction <maximumf>, %convert_element_type3A_51, %reduce_max3A_52 [1] : vector<256x2048xbf16> to vector<256xbf16>
    %broadcast_in_dim3A_54 = vector.shape_cast %reduce_max3A_53 : vector<256xbf16> to vector<256x1xbf16>
    %sub3A_55 = vector.broadcast %broadcast_in_dim3A_54 : vector<256x1xbf16> to vector<256x2048xbf16>
    %sub3A_56 = arith.subf %convert_element_type3A_51, %sub3A_55 : vector<256x2048xbf16>
    %exp3A_57 = math.exp %sub3A_56 : vector<256x2048xbf16>
    %convert_element_type3A_58 = arith.extf %exp3A_57 : vector<256x2048xbf16> to vector<256x2048xf32>
    %reduce_sum3A_59 = arith.constant dense<0.000000e+00> : vector<256xf32>
    %reduce_sum3A_60 = vector.multi_reduction <add>, %convert_element_type3A_58, %reduce_sum3A_59 [1] : vector<256x2048xf32> to vector<256xf32>
    %broadcast_in_dim3A_61 = vector.shape_cast %reduce_sum3A_60 : vector<256xf32> to vector<256x1xf32>
    %convert_element_type3A_62 = arith.truncf %broadcast_in_dim3A_61 : vector<256x1xf32> to vector<256x1xbf16>
    %slice3A_63 = vector.extract_strided_slice %get3A_9 {offsets = [0, 128], sizes = [2048, 64], strides = [1, 1]} : vector<2048x1024xbf16> to vector<2048x64xbf16>
    %dot_general3A_64 = arith.constant dense<0.000000e+00> : vector<256x64xf32>
    %dot_general3A_65 = tpu.matmul %exp3A_57, %slice3A_63, %dot_general3A_64 {dimension_numbers = #tpu.dot_dimension_numbers<[1], [0], [0], [1], [0, 0, 1, 1], [], []>, transpose_lhs_hint = false} : vector<256x2048xbf16>, vector<2048x64xbf16>, vector<256x64xf32> -> vector<256x64xf32>
    %convert_element_type3A_66 = arith.extf %convert_element_type3A_62 : vector<256x1xbf16> to vector<256x1xf32>
    %div3A_67 = vector.broadcast %convert_element_type3A_66 : vector<256x1xf32> to vector<256x64xf32>
    %div3A_68 = arith.divf %dot_general3A_65, %div3A_67 : vector<256x64xf32>
    %convert_element_type3A_69 = arith.truncf %div3A_68 : vector<256x64xf32> to vector<256x64xbf16>
    %slice3A_70 = vector.extract_strided_slice %mul3A_3 {offsets = [0, 192], sizes = [256, 64], strides = [1, 1]} : vector<256x1024xbf16> to vector<256x64xbf16>
    %slice3A_71 = vector.extract_strided_slice %get3A_6 {offsets = [0, 192], sizes = [2048, 64], strides = [1, 1]} : vector<2048x1024xbf16> to vector<2048x64xbf16>
    %dot_general3A_72 = arith.constant dense<0.000000e+00> : vector<256x2048xf32>
    %dot_general3A_73 = tpu.matmul %slice3A_70, %slice3A_71, %dot_general3A_72 {dimension_numbers = #tpu.dot_dimension_numbers<[1], [1], [0], [0], [0, 0, 1, 0], [], []>, transpose_lhs_hint = false} : vector<256x64xbf16>, vector<2048x64xbf16>, vector<256x2048xf32> -> vector<256x2048xf32>
    %convert_element_type3A_74 = arith.truncf %dot_general3A_73 : vector<256x2048xf32> to vector<256x2048xbf16>
    %reduce_max3A_75 = arith.constant dense<0xFF80> : vector<256xbf16>
    %reduce_max3A_76 = vector.multi_reduction <maximumf>, %convert_element_type3A_74, %reduce_max3A_75 [1] : vector<256x2048xbf16> to vector<256xbf16>
    %broadcast_in_dim3A_77 = vector.shape_cast %reduce_max3A_76 : vector<256xbf16> to vector<256x1xbf16>
    %sub3A_78 = vector.broadcast %broadcast_in_dim3A_77 : vector<256x1xbf16> to vector<256x2048xbf16>
    %sub3A_79 = arith.subf %convert_element_type3A_74, %sub3A_78 : vector<256x2048xbf16>
    %exp3A_80 = math.exp %sub3A_79 : vector<256x2048xbf16>
    %convert_element_type3A_81 = arith.extf %exp3A_80 : vector<256x2048xbf16> to vector<256x2048xf32>
    %reduce_sum3A_82 = arith.constant dense<0.000000e+00> : vector<256xf32>
    %reduce_sum3A_83 = vector.multi_reduction <add>, %convert_element_type3A_81, %reduce_sum3A_82 [1] : vector<256x2048xf32> to vector<256xf32>
    %broadcast_in_dim3A_84 = vector.shape_cast %reduce_sum3A_83 : vector<256xf32> to vector<256x1xf32>
    %convert_element_type3A_85 = arith.truncf %broadcast_in_dim3A_84 : vector<256x1xf32> to vector<256x1xbf16>
    %slice3A_86 = vector.extract_strided_slice %get3A_9 {offsets = [0, 192], sizes = [2048, 64], strides = [1, 1]} : vector<2048x1024xbf16> to vector<2048x64xbf16>
    %dot_general3A_87 = arith.constant dense<0.000000e+00> : vector<256x64xf32>
    %dot_general3A_88 = tpu.matmul %exp3A_80, %slice3A_86, %dot_general3A_87 {dimension_numbers = #tpu.dot_dimension_numbers<[1], [0], [0], [1], [0, 0, 1, 1], [], []>, transpose_lhs_hint = false} : vector<256x2048xbf16>, vector<2048x64xbf16>, vector<256x64xf32> -> vector<256x64xf32>
    %convert_element_type3A_89 = arith.extf %convert_element_type3A_85 : vector<256x1xbf16> to vector<256x1xf32>
    %div3A_90 = vector.broadcast %convert_element_type3A_89 : vector<256x1xf32> to vector<256x64xf32>
    %div3A_91 = arith.divf %dot_general3A_88, %div3A_90 : vector<256x64xf32>
    %convert_element_type3A_92 = arith.truncf %div3A_91 : vector<256x64xf32> to vector<256x64xbf16>
    %slice3A_93 = vector.extract_strided_slice %mul3A_3 {offsets = [0, 256], sizes = [256, 64], strides = [1, 1]} : vector<256x1024xbf16> to vector<256x64xbf16>
    %slice3A_94 = vector.extract_strided_slice %get3A_6 {offsets = [0, 256], sizes = [2048, 64], strides = [1, 1]} : vector<2048x1024xbf16> to vector<2048x64xbf16>
    %dot_general3A_95 = arith.constant dense<0.000000e+00> : vector<256x2048xf32>
    %dot_general3A_96 = tpu.matmul %slice3A_93, %slice3A_94, %dot_general3A_95 {dimension_numbers = #tpu.dot_dimension_numbers<[1], [1], [0], [0], [0, 0, 1, 0], [], []>, transpose_lhs_hint = false} : vector<256x64xbf16>, vector<2048x64xbf16>, vector<256x2048xf32> -> vector<256x2048xf32>
    %convert_element_type3A_97 = arith.truncf %dot_general3A_96 : vector<256x2048xf32> to vector<256x2048xbf16>
    %reduce_max3A_98 = arith.constant dense<0xFF80> : vector<256xbf16>
    %reduce_max3A_99 = vector.multi_reduction <maximumf>, %convert_element_type3A_97, %reduce_max3A_98 [1] : vector<256x2048xbf16> to vector<256xbf16>
    %broadcast_in_dim3A_100 = vector.shape_cast %reduce_max3A_99 : vector<256xbf16> to vector<256x1xbf16>
    %sub3A_101 = vector.broadcast %broadcast_in_dim3A_100 : vector<256x1xbf16> to vector<256x2048xbf16>
    %sub3A_102 = arith.subf %convert_element_type3A_97, %sub3A_101 : vector<256x2048xbf16>
    %exp3A_103 = math.exp %sub3A_102 : vector<256x2048xbf16>
    %convert_element_type3A_104 = arith.extf %exp3A_103 : vector<256x2048xbf16> to vector<256x2048xf32>
    %reduce_sum3A_105 = arith.constant dense<0.000000e+00> : vector<256xf32>
    %reduce_sum3A_106 = vector.multi_reduction <add>, %convert_element_type3A_104, %reduce_sum3A_105 [1] : vector<256x2048xf32> to vector<256xf32>
    %broadcast_in_dim3A_107 = vector.shape_cast %reduce_sum3A_106 : vector<256xf32> to vector<256x1xf32>
    %convert_element_type3A_108 = arith.truncf %broadcast_in_dim3A_107 : vector<256x1xf32> to vector<256x1xbf16>
    %slice3A_109 = vector.extract_strided_slice %get3A_9 {offsets = [0, 256], sizes = [2048, 64], strides = [1, 1]} : vector<2048x1024xbf16> to vector<2048x64xbf16>
    %dot_general3A_110 = arith.constant dense<0.000000e+00> : vector<256x64xf32>
    %dot_general3A_111 = tpu.matmul %exp3A_103, %slice3A_109, %dot_general3A_110 {dimension_numbers = #tpu.dot_dimension_numbers<[1], [0], [0], [1], [0, 0, 1, 1], [], []>, transpose_lhs_hint = false} : vector<256x2048xbf16>, vector<2048x64xbf16>, vector<256x64xf32> -> vector<256x64xf32>
    %convert_element_type3A_112 = arith.extf %convert_element_type3A_108 : vector<256x1xbf16> to vector<256x1xf32>
    %div3A_113 = vector.broadcast %convert_element_type3A_112 : vector<256x1xf32> to vector<256x64xf32>
    %div3A_114 = arith.divf %dot_general3A_111, %div3A_113 : vector<256x64xf32>
    %convert_element_type3A_115 = arith.truncf %div3A_114 : vector<256x64xf32> to vector<256x64xbf16>
    %slice3A_116 = vector.extract_strided_slice %mul3A_3 {offsets = [0, 320], sizes = [256, 64], strides = [1, 1]} : vector<256x1024xbf16> to vector<256x64xbf16>
    %slice3A_117 = vector.extract_strided_slice %get3A_6 {offsets = [0, 320], sizes = [2048, 64], strides = [1, 1]} : vector<2048x1024xbf16> to vector<2048x64xbf16>
    %dot_general3A_118 = arith.constant dense<0.000000e+00> : vector<256x2048xf32>
    %dot_general3A_119 = tpu.matmul %slice3A_116, %slice3A_117, %dot_general3A_118 {dimension_numbers = #tpu.dot_dimension_numbers<[1], [1], [0], [0], [0, 0, 1, 0], [], []>, transpose_lhs_hint = false} : vector<256x64xbf16>, vector<2048x64xbf16>, vector<256x2048xf32> -> vector<256x2048xf32>
    %convert_element_type3A_120 = arith.truncf %dot_general3A_119 : vector<256x2048xf32> to vector<256x2048xbf16>
    %reduce_max3A_121 = arith.constant dense<0xFF80> : vector<256xbf16>
    %reduce_max3A_122 = vector.multi_reduction <maximumf>, %convert_element_type3A_120, %reduce_max3A_121 [1] : vector<256x2048xbf16> to vector<256xbf16>
    %broadcast_in_dim3A_123 = vector.shape_cast %reduce_max3A_122 : vector<256xbf16> to vector<256x1xbf16>
    %sub3A_124 = vector.broadcast %broadcast_in_dim3A_123 : vector<256x1xbf16> to vector<256x2048xbf16>
    %sub3A_125 = arith.subf %convert_element_type3A_120, %sub3A_124 : vector<256x2048xbf16>
    %exp3A_126 = math.exp %sub3A_125 : vector<256x2048xbf16>
    %convert_element_type3A_127 = arith.extf %exp3A_126 : vector<256x2048xbf16> to vector<256x2048xf32>
    %reduce_sum3A_128 = arith.constant dense<0.000000e+00> : vector<256xf32>
    %reduce_sum3A_129 = vector.multi_reduction <add>, %convert_element_type3A_127, %reduce_sum3A_128 [1] : vector<256x2048xf32> to vector<256xf32>
    %broadcast_in_dim3A_130 = vector.shape_cast %reduce_sum3A_129 : vector<256xf32> to vector<256x1xf32>
    %convert_element_type3A_131 = arith.truncf %broadcast_in_dim3A_130 : vector<256x1xf32> to vector<256x1xbf16>
    %slice3A_132 = vector.extract_strided_slice %get3A_9 {offsets = [0, 320], sizes = [2048, 64], strides = [1, 1]} : vector<2048x1024xbf16> to vector<2048x64xbf16>
    %dot_general3A_133 = arith.constant dense<0.000000e+00> : vector<256x64xf32>
    %dot_general3A_134 = tpu.matmul %exp3A_126, %slice3A_132, %dot_general3A_133 {dimension_numbers = #tpu.dot_dimension_numbers<[1], [0], [0], [1], [0, 0, 1, 1], [], []>, transpose_lhs_hint = false} : vector<256x2048xbf16>, vector<2048x64xbf16>, vector<256x64xf32> -> vector<256x64xf32>
    %convert_element_type3A_135 = arith.extf %convert_element_type3A_131 : vector<256x1xbf16> to vector<256x1xf32>
    %div3A_136 = vector.broadcast %convert_element_type3A_135 : vector<256x1xf32> to vector<256x64xf32>
    %div3A_137 = arith.divf %dot_general3A_134, %div3A_136 : vector<256x64xf32>
    %convert_element_type3A_138 = arith.truncf %div3A_137 : vector<256x64xf32> to vector<256x64xbf16>
    %slice3A_139 = vector.extract_strided_slice %mul3A_3 {offsets = [0, 384], sizes = [256, 64], strides = [1, 1]} : vector<256x1024xbf16> to vector<256x64xbf16>
    %slice3A_140 = vector.extract_strided_slice %get3A_6 {offsets = [0, 384], sizes = [2048, 64], strides = [1, 1]} : vector<2048x1024xbf16> to vector<2048x64xbf16>
    %dot_general3A_141 = arith.constant dense<0.000000e+00> : vector<256x2048xf32>
    %dot_general3A_142 = tpu.matmul %slice3A_139, %slice3A_140, %dot_general3A_141 {dimension_numbers = #tpu.dot_dimension_numbers<[1], [1], [0], [0], [0, 0, 1, 0], [], []>, transpose_lhs_hint = false} : vector<256x64xbf16>, vector<2048x64xbf16>, vector<256x2048xf32> -> vector<256x2048xf32>
    %convert_element_type3A_143 = arith.truncf %dot_general3A_142 : vector<256x2048xf32> to vector<256x2048xbf16>
    %reduce_max3A_144 = arith.constant dense<0xFF80> : vector<256xbf16>
    %reduce_max3A_145 = vector.multi_reduction <maximumf>, %convert_element_type3A_143, %reduce_max3A_144 [1] : vector<256x2048xbf16> to vector<256xbf16>
    %broadcast_in_dim3A_146 = vector.shape_cast %reduce_max3A_145 : vector<256xbf16> to vector<256x1xbf16>
    %sub3A_147 = vector.broadcast %broadcast_in_dim3A_146 : vector<256x1xbf16> to vector<256x2048xbf16>
    %sub3A_148 = arith.subf %convert_element_type3A_143, %sub3A_147 : vector<256x2048xbf16>
    %exp3A_149 = math.exp %sub3A_148 : vector<256x2048xbf16>
    %convert_element_type3A_150 = arith.extf %exp3A_149 : vector<256x2048xbf16> to vector<256x2048xf32>
    %reduce_sum3A_151 = arith.constant dense<0.000000e+00> : vector<256xf32>
    %reduce_sum3A_152 = vector.multi_reduction <add>, %convert_element_type3A_150, %reduce_sum3A_151 [1] : vector<256x2048xf32> to vector<256xf32>
    %broadcast_in_dim3A_153 = vector.shape_cast %reduce_sum3A_152 : vector<256xf32> to vector<256x1xf32>
    %convert_element_type3A_154 = arith.truncf %broadcast_in_dim3A_153 : vector<256x1xf32> to vector<256x1xbf16>
    %slice3A_155 = vector.extract_strided_slice %get3A_9 {offsets = [0, 384], sizes = [2048, 64], strides = [1, 1]} : vector<2048x1024xbf16> to vector<2048x64xbf16>
    %dot_general3A_156 = arith.constant dense<0.000000e+00> : vector<256x64xf32>
    %dot_general3A_157 = tpu.matmul %exp3A_149, %slice3A_155, %dot_general3A_156 {dimension_numbers = #tpu.dot_dimension_numbers<[1], [0], [0], [1], [0, 0, 1, 1], [], []>, transpose_lhs_hint = false} : vector<256x2048xbf16>, vector<2048x64xbf16>, vector<256x64xf32> -> vector<256x64xf32>
    %convert_element_type3A_158 = arith.extf %convert_element_type3A_154 : vector<256x1xbf16> to vector<256x1xf32>
    %div3A_159 = vector.broadcast %convert_element_type3A_158 : vector<256x1xf32> to vector<256x64xf32>
    %div3A_160 = arith.divf %dot_general3A_157, %div3A_159 : vector<256x64xf32>
    %convert_element_type3A_161 = arith.truncf %div3A_160 : vector<256x64xf32> to vector<256x64xbf16>
    %slice3A_162 = vector.extract_strided_slice %mul3A_3 {offsets = [0, 448], sizes = [256, 64], strides = [1, 1]} : vector<256x1024xbf16> to vector<256x64xbf16>
    %slice3A_163 = vector.extract_strided_slice %get3A_6 {offsets = [0, 448], sizes = [2048, 64], strides = [1, 1]} : vector<2048x1024xbf16> to vector<2048x64xbf16>
    %dot_general3A_164 = arith.constant dense<0.000000e+00> : vector<256x2048xf32>
    %dot_general3A_165 = tpu.matmul %slice3A_162, %slice3A_163, %dot_general3A_164 {dimension_numbers = #tpu.dot_dimension_numbers<[1], [1], [0], [0], [0, 0, 1, 0], [], []>, transpose_lhs_hint = false} : vector<256x64xbf16>, vector<2048x64xbf16>, vector<256x2048xf32> -> vector<256x2048xf32>
    %convert_element_type3A_166 = arith.truncf %dot_general3A_165 : vector<256x2048xf32> to vector<256x2048xbf16>
    %reduce_max3A_167 = arith.constant dense<0xFF80> : vector<256xbf16>
    %reduce_max3A_168 = vector.multi_reduction <maximumf>, %convert_element_type3A_166, %reduce_max3A_167 [1] : vector<256x2048xbf16> to vector<256xbf16>
    %broadcast_in_dim3A_169 = vector.shape_cast %reduce_max3A_168 : vector<256xbf16> to vector<256x1xbf16>
    %sub3A_170 = vector.broadcast %broadcast_in_dim3A_169 : vector<256x1xbf16> to vector<256x2048xbf16>
    %sub3A_171 = arith.subf %convert_element_type3A_166, %sub3A_170 : vector<256x2048xbf16>
    %exp3A_172 = math.exp %sub3A_171 : vector<256x2048xbf16>
    %convert_element_type3A_173 = arith.extf %exp3A_172 : vector<256x2048xbf16> to vector<256x2048xf32>
    %reduce_sum3A_174 = arith.constant dense<0.000000e+00> : vector<256xf32>
    %reduce_sum3A_175 = vector.multi_reduction <add>, %convert_element_type3A_173, %reduce_sum3A_174 [1] : vector<256x2048xf32> to vector<256xf32>
    %broadcast_in_dim3A_176 = vector.shape_cast %reduce_sum3A_175 : vector<256xf32> to vector<256x1xf32>
    %convert_element_type3A_177 = arith.truncf %broadcast_in_dim3A_176 : vector<256x1xf32> to vector<256x1xbf16>
    %slice3A_178 = vector.extract_strided_slice %get3A_9 {offsets = [0, 448], sizes = [2048, 64], strides = [1, 1]} : vector<2048x1024xbf16> to vector<2048x64xbf16>
    %dot_general3A_179 = arith.constant dense<0.000000e+00> : vector<256x64xf32>
    %dot_general3A_180 = tpu.matmul %exp3A_172, %slice3A_178, %dot_general3A_179 {dimension_numbers = #tpu.dot_dimension_numbers<[1], [0], [0], [1], [0, 0, 1, 1], [], []>, transpose_lhs_hint = false} : vector<256x2048xbf16>, vector<2048x64xbf16>, vector<256x64xf32> -> vector<256x64xf32>
    %convert_element_type3A_181 = arith.extf %convert_element_type3A_177 : vector<256x1xbf16> to vector<256x1xf32>
    %div3A_182 = vector.broadcast %convert_element_type3A_181 : vector<256x1xf32> to vector<256x64xf32>
    %div3A_183 = arith.divf %dot_general3A_180, %div3A_182 : vector<256x64xf32>
    %convert_element_type3A_184 = arith.truncf %div3A_183 : vector<256x64xf32> to vector<256x64xbf16>
    %slice3A_185 = vector.extract_strided_slice %mul3A_3 {offsets = [0, 512], sizes = [256, 64], strides = [1, 1]} : vector<256x1024xbf16> to vector<256x64xbf16>
    %slice3A_186 = vector.extract_strided_slice %get3A_6 {offsets = [0, 512], sizes = [2048, 64], strides = [1, 1]} : vector<2048x1024xbf16> to vector<2048x64xbf16>
    %dot_general3A_187 = arith.constant dense<0.000000e+00> : vector<256x2048xf32>
    %dot_general3A_188 = tpu.matmul %slice3A_185, %slice3A_186, %dot_general3A_187 {dimension_numbers = #tpu.dot_dimension_numbers<[1], [1], [0], [0], [0, 0, 1, 0], [], []>, transpose_lhs_hint = false} : vector<256x64xbf16>, vector<2048x64xbf16>, vector<256x2048xf32> -> vector<256x2048xf32>
    %convert_element_type3A_189 = arith.truncf %dot_general3A_188 : vector<256x2048xf32> to vector<256x2048xbf16>
    %reduce_max3A_190 = arith.constant dense<0xFF80> : vector<256xbf16>
    %reduce_max3A_191 = vector.multi_reduction <maximumf>, %convert_element_type3A_189, %reduce_max3A_190 [1] : vector<256x2048xbf16> to vector<256xbf16>
    %broadcast_in_dim3A_192 = vector.shape_cast %reduce_max3A_191 : vector<256xbf16> to vector<256x1xbf16>
    %sub3A_193 = vector.broadcast %broadcast_in_dim3A_192 : vector<256x1xbf16> to vector<256x2048xbf16>
    %sub3A_194 = arith.subf %convert_element_type3A_189, %sub3A_193 : vector<256x2048xbf16>
    %exp3A_195 = math.exp %sub3A_194 : vector<256x2048xbf16>
    %convert_element_type3A_196 = arith.extf %exp3A_195 : vector<256x2048xbf16> to vector<256x2048xf32>
    %reduce_sum3A_197 = arith.constant dense<0.000000e+00> : vector<256xf32>
    %reduce_sum3A_198 = vector.multi_reduction <add>, %convert_element_type3A_196, %reduce_sum3A_197 [1] : vector<256x2048xf32> to vector<256xf32>
    %broadcast_in_dim3A_199 = vector.shape_cast %reduce_sum3A_198 : vector<256xf32> to vector<256x1xf32>
    %convert_element_type3A_200 = arith.truncf %broadcast_in_dim3A_199 : vector<256x1xf32> to vector<256x1xbf16>
    %slice3A_201 = vector.extract_strided_slice %get3A_9 {offsets = [0, 512], sizes = [2048, 64], strides = [1, 1]} : vector<2048x1024xbf16> to vector<2048x64xbf16>
    %dot_general3A_202 = arith.constant dense<0.000000e+00> : vector<256x64xf32>
    %dot_general3A_203 = tpu.matmul %exp3A_195, %slice3A_201, %dot_general3A_202 {dimension_numbers = #tpu.dot_dimension_numbers<[1], [0], [0], [1], [0, 0, 1, 1], [], []>, transpose_lhs_hint = false} : vector<256x2048xbf16>, vector<2048x64xbf16>, vector<256x64xf32> -> vector<256x64xf32>
    %convert_element_type3A_204 = arith.extf %convert_element_type3A_200 : vector<256x1xbf16> to vector<256x1xf32>
    %div3A_205 = vector.broadcast %convert_element_type3A_204 : vector<256x1xf32> to vector<256x64xf32>
    %div3A_206 = arith.divf %dot_general3A_203, %div3A_205 : vector<256x64xf32>
    %convert_element_type3A_207 = arith.truncf %div3A_206 : vector<256x64xf32> to vector<256x64xbf16>
    %slice3A_208 = vector.extract_strided_slice %mul3A_3 {offsets = [0, 576], sizes = [256, 64], strides = [1, 1]} : vector<256x1024xbf16> to vector<256x64xbf16>
    %slice3A_209 = vector.extract_strided_slice %get3A_6 {offsets = [0, 576], sizes = [2048, 64], strides = [1, 1]} : vector<2048x1024xbf16> to vector<2048x64xbf16>
    %dot_general3A_210 = arith.constant dense<0.000000e+00> : vector<256x2048xf32>
    %dot_general3A_211 = tpu.matmul %slice3A_208, %slice3A_209, %dot_general3A_210 {dimension_numbers = #tpu.dot_dimension_numbers<[1], [1], [0], [0], [0, 0, 1, 0], [], []>, transpose_lhs_hint = false} : vector<256x64xbf16>, vector<2048x64xbf16>, vector<256x2048xf32> -> vector<256x2048xf32>
    %convert_element_type3A_212 = arith.truncf %dot_general3A_211 : vector<256x2048xf32> to vector<256x2048xbf16>
    %reduce_max3A_213 = arith.constant dense<0xFF80> : vector<256xbf16>
    %reduce_max3A_214 = vector.multi_reduction <maximumf>, %convert_element_type3A_212, %reduce_max3A_213 [1] : vector<256x2048xbf16> to vector<256xbf16>
    %broadcast_in_dim3A_215 = vector.shape_cast %reduce_max3A_214 : vector<256xbf16> to vector<256x1xbf16>
    %sub3A_216 = vector.broadcast %broadcast_in_dim3A_215 : vector<256x1xbf16> to vector<256x2048xbf16>
    %sub3A_217 = arith.subf %convert_element_type3A_212, %sub3A_216 : vector<256x2048xbf16>
    %exp3A_218 = math.exp %sub3A_217 : vector<256x2048xbf16>
    %convert_element_type3A_219 = arith.extf %exp3A_218 : vector<256x2048xbf16> to vector<256x2048xf32>
    %reduce_sum3A_220 = arith.constant dense<0.000000e+00> : vector<256xf32>
    %reduce_sum3A_221 = vector.multi_reduction <add>, %convert_element_type3A_219, %reduce_sum3A_220 [1] : vector<256x2048xf32> to vector<256xf32>
    %broadcast_in_dim3A_222 = vector.shape_cast %reduce_sum3A_221 : vector<256xf32> to vector<256x1xf32>
    %convert_element_type3A_223 = arith.truncf %broadcast_in_dim3A_222 : vector<256x1xf32> to vector<256x1xbf16>
    %slice3A_224 = vector.extract_strided_slice %get3A_9 {offsets = [0, 576], sizes = [2048, 64], strides = [1, 1]} : vector<2048x1024xbf16> to vector<2048x64xbf16>
    %dot_general3A_225 = arith.constant dense<0.000000e+00> : vector<256x64xf32>
    %dot_general3A_226 = tpu.matmul %exp3A_218, %slice3A_224, %dot_general3A_225 {dimension_numbers = #tpu.dot_dimension_numbers<[1], [0], [0], [1], [0, 0, 1, 1], [], []>, transpose_lhs_hint = false} : vector<256x2048xbf16>, vector<2048x64xbf16>, vector<256x64xf32> -> vector<256x64xf32>
    %convert_element_type3A_227 = arith.extf %convert_element_type3A_223 : vector<256x1xbf16> to vector<256x1xf32>
    %div3A_228 = vector.broadcast %convert_element_type3A_227 : vector<256x1xf32> to vector<256x64xf32>
    %div3A_229 = arith.divf %dot_general3A_226, %div3A_228 : vector<256x64xf32>
    %convert_element_type3A_230 = arith.truncf %div3A_229 : vector<256x64xf32> to vector<256x64xbf16>
    %slice3A_231 = vector.extract_strided_slice %mul3A_3 {offsets = [0, 640], sizes = [256, 64], strides = [1, 1]} : vector<256x1024xbf16> to vector<256x64xbf16>
    %slice3A_232 = vector.extract_strided_slice %get3A_6 {offsets = [0, 640], sizes = [2048, 64], strides = [1, 1]} : vector<2048x1024xbf16> to vector<2048x64xbf16>
    %dot_general3A_233 = arith.constant dense<0.000000e+00> : vector<256x2048xf32>
    %dot_general3A_234 = tpu.matmul %slice3A_231, %slice3A_232, %dot_general3A_233 {dimension_numbers = #tpu.dot_dimension_numbers<[1], [1], [0], [0], [0, 0, 1, 0], [], []>, transpose_lhs_hint = false} : vector<256x64xbf16>, vector<2048x64xbf16>, vector<256x2048xf32> -> vector<256x2048xf32>
    %convert_element_type3A_235 = arith.truncf %dot_general3A_234 : vector<256x2048xf32> to vector<256x2048xbf16>
    %reduce_max3A_236 = arith.constant dense<0xFF80> : vector<256xbf16>
    %reduce_max3A_237 = vector.multi_reduction <maximumf>, %convert_element_type3A_235, %reduce_max3A_236 [1] : vector<256x2048xbf16> to vector<256xbf16>
    %broadcast_in_dim3A_238 = vector.shape_cast %reduce_max3A_237 : vector<256xbf16> to vector<256x1xbf16>
    %sub3A_239 = vector.broadcast %broadcast_in_dim3A_238 : vector<256x1xbf16> to vector<256x2048xbf16>
    %sub3A_240 = arith.subf %convert_element_type3A_235, %sub3A_239 : vector<256x2048xbf16>
    %exp3A_241 = math.exp %sub3A_240 : vector<256x2048xbf16>
    %convert_element_type3A_242 = arith.extf %exp3A_241 : vector<256x2048xbf16> to vector<256x2048xf32>
    %reduce_sum3A_243 = arith.constant dense<0.000000e+00> : vector<256xf32>
    %reduce_sum3A_244 = vector.multi_reduction <add>, %convert_element_type3A_242, %reduce_sum3A_243 [1] : vector<256x2048xf32> to vector<256xf32>
    %broadcast_in_dim3A_245 = vector.shape_cast %reduce_sum3A_244 : vector<256xf32> to vector<256x1xf32>
    %convert_element_type3A_246 = arith.truncf %broadcast_in_dim3A_245 : vector<256x1xf32> to vector<256x1xbf16>
    %slice3A_247 = vector.extract_strided_slice %get3A_9 {offsets = [0, 640], sizes = [2048, 64], strides = [1, 1]} : vector<2048x1024xbf16> to vector<2048x64xbf16>
    %dot_general3A_248 = arith.constant dense<0.000000e+00> : vector<256x64xf32>
    %dot_general3A_249 = tpu.matmul %exp3A_241, %slice3A_247, %dot_general3A_248 {dimension_numbers = #tpu.dot_dimension_numbers<[1], [0], [0], [1], [0, 0, 1, 1], [], []>, transpose_lhs_hint = false} : vector<256x2048xbf16>, vector<2048x64xbf16>, vector<256x64xf32> -> vector<256x64xf32>
    %convert_element_type3A_250 = arith.extf %convert_element_type3A_246 : vector<256x1xbf16> to vector<256x1xf32>
    %div3A_251 = vector.broadcast %convert_element_type3A_250 : vector<256x1xf32> to vector<256x64xf32>
    %div3A_252 = arith.divf %dot_general3A_249, %div3A_251 : vector<256x64xf32>
    %convert_element_type3A_253 = arith.truncf %div3A_252 : vector<256x64xf32> to vector<256x64xbf16>
    %slice3A_254 = vector.extract_strided_slice %mul3A_3 {offsets = [0, 704], sizes = [256, 64], strides = [1, 1]} : vector<256x1024xbf16> to vector<256x64xbf16>
    %slice3A_255 = vector.extract_strided_slice %get3A_6 {offsets = [0, 704], sizes = [2048, 64], strides = [1, 1]} : vector<2048x1024xbf16> to vector<2048x64xbf16>
    %dot_general3A_256 = arith.constant dense<0.000000e+00> : vector<256x2048xf32>
    %dot_general3A_257 = tpu.matmul %slice3A_254, %slice3A_255, %dot_general3A_256 {dimension_numbers = #tpu.dot_dimension_numbers<[1], [1], [0], [0], [0, 0, 1, 0], [], []>, transpose_lhs_hint = false} : vector<256x64xbf16>, vector<2048x64xbf16>, vector<256x2048xf32> -> vector<256x2048xf32>
    %convert_element_type3A_258 = arith.truncf %dot_general3A_257 : vector<256x2048xf32> to vector<256x2048xbf16>
    %reduce_max3A_259 = arith.constant dense<0xFF80> : vector<256xbf16>
    %reduce_max3A_260 = vector.multi_reduction <maximumf>, %convert_element_type3A_258, %reduce_max3A_259 [1] : vector<256x2048xbf16> to vector<256xbf16>
    %broadcast_in_dim3A_261 = vector.shape_cast %reduce_max3A_260 : vector<256xbf16> to vector<256x1xbf16>
    %sub3A_262 = vector.broadcast %broadcast_in_dim3A_261 : vector<256x1xbf16> to vector<256x2048xbf16>
    %sub3A_263 = arith.subf %convert_element_type3A_258, %sub3A_262 : vector<256x2048xbf16>
    %exp3A_264 = math.exp %sub3A_263 : vector<256x2048xbf16>
    %convert_element_type3A_265 = arith.extf %exp3A_264 : vector<256x2048xbf16> to vector<256x2048xf32>
    %reduce_sum3A_266 = arith.constant dense<0.000000e+00> : vector<256xf32>
    %reduce_sum3A_267 = vector.multi_reduction <add>, %convert_element_type3A_265, %reduce_sum3A_266 [1] : vector<256x2048xf32> to vector<256xf32>
    %broadcast_in_dim3A_268 = vector.shape_cast %reduce_sum3A_267 : vector<256xf32> to vector<256x1xf32>
    %convert_element_type3A_269 = arith.truncf %broadcast_in_dim3A_268 : vector<256x1xf32> to vector<256x1xbf16>
    %slice3A_270 = vector.extract_strided_slice %get3A_9 {offsets = [0, 704], sizes = [2048, 64], strides = [1, 1]} : vector<2048x1024xbf16> to vector<2048x64xbf16>
    %dot_general3A_271 = arith.constant dense<0.000000e+00> : vector<256x64xf32>
    %dot_general3A_272 = tpu.matmul %exp3A_264, %slice3A_270, %dot_general3A_271 {dimension_numbers = #tpu.dot_dimension_numbers<[1], [0], [0], [1], [0, 0, 1, 1], [], []>, transpose_lhs_hint = false} : vector<256x2048xbf16>, vector<2048x64xbf16>, vector<256x64xf32> -> vector<256x64xf32>
    %convert_element_type3A_273 = arith.extf %convert_element_type3A_269 : vector<256x1xbf16> to vector<256x1xf32>
    %div3A_274 = vector.broadcast %convert_element_type3A_273 : vector<256x1xf32> to vector<256x64xf32>
    %div3A_275 = arith.divf %dot_general3A_272, %div3A_274 : vector<256x64xf32>
    %convert_element_type3A_276 = arith.truncf %div3A_275 : vector<256x64xf32> to vector<256x64xbf16>
    %slice3A_277 = vector.extract_strided_slice %mul3A_3 {offsets = [0, 768], sizes = [256, 64], strides = [1, 1]} : vector<256x1024xbf16> to vector<256x64xbf16>
    %slice3A_278 = vector.extract_strided_slice %get3A_6 {offsets = [0, 768], sizes = [2048, 64], strides = [1, 1]} : vector<2048x1024xbf16> to vector<2048x64xbf16>
    %dot_general3A_279 = arith.constant dense<0.000000e+00> : vector<256x2048xf32>
    %dot_general3A_280 = tpu.matmul %slice3A_277, %slice3A_278, %dot_general3A_279 {dimension_numbers = #tpu.dot_dimension_numbers<[1], [1], [0], [0], [0, 0, 1, 0], [], []>, transpose_lhs_hint = false} : vector<256x64xbf16>, vector<2048x64xbf16>, vector<256x2048xf32> -> vector<256x2048xf32>
    %convert_element_type3A_281 = arith.truncf %dot_general3A_280 : vector<256x2048xf32> to vector<256x2048xbf16>
    %reduce_max3A_282 = arith.constant dense<0xFF80> : vector<256xbf16>
    %reduce_max3A_283 = vector.multi_reduction <maximumf>, %convert_element_type3A_281, %reduce_max3A_282 [1] : vector<256x2048xbf16> to vector<256xbf16>
    %broadcast_in_dim3A_284 = vector.shape_cast %reduce_max3A_283 : vector<256xbf16> to vector<256x1xbf16>
    %sub3A_285 = vector.broadcast %broadcast_in_dim3A_284 : vector<256x1xbf16> to vector<256x2048xbf16>
    %sub3A_286 = arith.subf %convert_element_type3A_281, %sub3A_285 : vector<256x2048xbf16>
    %exp3A_287 = math.exp %sub3A_286 : vector<256x2048xbf16>
    %convert_element_type3A_288 = arith.extf %exp3A_287 : vector<256x2048xbf16> to vector<256x2048xf32>
    %reduce_sum3A_289 = arith.constant dense<0.000000e+00> : vector<256xf32>
    %reduce_sum3A_290 = vector.multi_reduction <add>, %convert_element_type3A_288, %reduce_sum3A_289 [1] : vector<256x2048xf32> to vector<256xf32>
    %broadcast_in_dim3A_291 = vector.shape_cast %reduce_sum3A_290 : vector<256xf32> to vector<256x1xf32>
    %convert_element_type3A_292 = arith.truncf %broadcast_in_dim3A_291 : vector<256x1xf32> to vector<256x1xbf16>
    %slice3A_293 = vector.extract_strided_slice %get3A_9 {offsets = [0, 768], sizes = [2048, 64], strides = [1, 1]} : vector<2048x1024xbf16> to vector<2048x64xbf16>
    %dot_general3A_294 = arith.constant dense<0.000000e+00> : vector<256x64xf32>
    %dot_general3A_295 = tpu.matmul %exp3A_287, %slice3A_293, %dot_general3A_294 {dimension_numbers = #tpu.dot_dimension_numbers<[1], [0], [0], [1], [0, 0, 1, 1], [], []>, transpose_lhs_hint = false} : vector<256x2048xbf16>, vector<2048x64xbf16>, vector<256x64xf32> -> vector<256x64xf32>
    %convert_element_type3A_296 = arith.extf %convert_element_type3A_292 : vector<256x1xbf16> to vector<256x1xf32>
    %div3A_297 = vector.broadcast %convert_element_type3A_296 : vector<256x1xf32> to vector<256x64xf32>
    %div3A_298 = arith.divf %dot_general3A_295, %div3A_297 : vector<256x64xf32>
    %convert_element_type3A_299 = arith.truncf %div3A_298 : vector<256x64xf32> to vector<256x64xbf16>
    %slice3A_300 = vector.extract_strided_slice %mul3A_3 {offsets = [0, 832], sizes = [256, 64], strides = [1, 1]} : vector<256x1024xbf16> to vector<256x64xbf16>
    %slice3A_301 = vector.extract_strided_slice %get3A_6 {offsets = [0, 832], sizes = [2048, 64], strides = [1, 1]} : vector<2048x1024xbf16> to vector<2048x64xbf16>
    %dot_general3A_302 = arith.constant dense<0.000000e+00> : vector<256x2048xf32>
    %dot_general3A_303 = tpu.matmul %slice3A_300, %slice3A_301, %dot_general3A_302 {dimension_numbers = #tpu.dot_dimension_numbers<[1], [1], [0], [0], [0, 0, 1, 0], [], []>, transpose_lhs_hint = false} : vector<256x64xbf16>, vector<2048x64xbf16>, vector<256x2048xf32> -> vector<256x2048xf32>
    %convert_element_type3A_304 = arith.truncf %dot_general3A_303 : vector<256x2048xf32> to vector<256x2048xbf16>
    %reduce_max3A_305 = arith.constant dense<0xFF80> : vector<256xbf16>
    %reduce_max3A_306 = vector.multi_reduction <maximumf>, %convert_element_type3A_304, %reduce_max3A_305 [1] : vector<256x2048xbf16> to vector<256xbf16>
    %broadcast_in_dim3A_307 = vector.shape_cast %reduce_max3A_306 : vector<256xbf16> to vector<256x1xbf16>
    %sub3A_308 = vector.broadcast %broadcast_in_dim3A_307 : vector<256x1xbf16> to vector<256x2048xbf16>
    %sub3A_309 = arith.subf %convert_element_type3A_304, %sub3A_308 : vector<256x2048xbf16>
    %exp3A_310 = math.exp %sub3A_309 : vector<256x2048xbf16>
    %convert_element_type3A_311 = arith.extf %exp3A_310 : vector<256x2048xbf16> to vector<256x2048xf32>
    %reduce_sum3A_312 = arith.constant dense<0.000000e+00> : vector<256xf32>
    %reduce_sum3A_313 = vector.multi_reduction <add>, %convert_element_type3A_311, %reduce_sum3A_312 [1] : vector<256x2048xf32> to vector<256xf32>
    %broadcast_in_dim3A_314 = vector.shape_cast %reduce_sum3A_313 : vector<256xf32> to vector<256x1xf32>
    %convert_element_type3A_315 = arith.truncf %broadcast_in_dim3A_314 : vector<256x1xf32> to vector<256x1xbf16>
    %slice3A_316 = vector.extract_strided_slice %get3A_9 {offsets = [0, 832], sizes = [2048, 64], strides = [1, 1]} : vector<2048x1024xbf16> to vector<2048x64xbf16>
    %dot_general3A_317 = arith.constant dense<0.000000e+00> : vector<256x64xf32>
    %dot_general3A_318 = tpu.matmul %exp3A_310, %slice3A_316, %dot_general3A_317 {dimension_numbers = #tpu.dot_dimension_numbers<[1], [0], [0], [1], [0, 0, 1, 1], [], []>, transpose_lhs_hint = false} : vector<256x2048xbf16>, vector<2048x64xbf16>, vector<256x64xf32> -> vector<256x64xf32>
    %convert_element_type3A_319 = arith.extf %convert_element_type3A_315 : vector<256x1xbf16> to vector<256x1xf32>
    %div3A_320 = vector.broadcast %convert_element_type3A_319 : vector<256x1xf32> to vector<256x64xf32>
    %div3A_321 = arith.divf %dot_general3A_318, %div3A_320 : vector<256x64xf32>
    %convert_element_type3A_322 = arith.truncf %div3A_321 : vector<256x64xf32> to vector<256x64xbf16>
    %slice3A_323 = vector.extract_strided_slice %mul3A_3 {offsets = [0, 896], sizes = [256, 64], strides = [1, 1]} : vector<256x1024xbf16> to vector<256x64xbf16>
    %slice3A_324 = vector.extract_strided_slice %get3A_6 {offsets = [0, 896], sizes = [2048, 64], strides = [1, 1]} : vector<2048x1024xbf16> to vector<2048x64xbf16>
    %dot_general3A_325 = arith.constant dense<0.000000e+00> : vector<256x2048xf32>
    %dot_general3A_326 = tpu.matmul %slice3A_323, %slice3A_324, %dot_general3A_325 {dimension_numbers = #tpu.dot_dimension_numbers<[1], [1], [0], [0], [0, 0, 1, 0], [], []>, transpose_lhs_hint = false} : vector<256x64xbf16>, vector<2048x64xbf16>, vector<256x2048xf32> -> vector<256x2048xf32>
    %convert_element_type3A_327 = arith.truncf %dot_general3A_326 : vector<256x2048xf32> to vector<256x2048xbf16>
    %reduce_max3A_328 = arith.constant dense<0xFF80> : vector<256xbf16>
    %reduce_max3A_329 = vector.multi_reduction <maximumf>, %convert_element_type3A_327, %reduce_max3A_328 [1] : vector<256x2048xbf16> to vector<256xbf16>
    %broadcast_in_dim3A_330 = vector.shape_cast %reduce_max3A_329 : vector<256xbf16> to vector<256x1xbf16>
    %sub3A_331 = vector.broadcast %broadcast_in_dim3A_330 : vector<256x1xbf16> to vector<256x2048xbf16>
    %sub3A_332 = arith.subf %convert_element_type3A_327, %sub3A_331 : vector<256x2048xbf16>
    %exp3A_333 = math.exp %sub3A_332 : vector<256x2048xbf16>
    %convert_element_type3A_334 = arith.extf %exp3A_333 : vector<256x2048xbf16> to vector<256x2048xf32>
    %reduce_sum3A_335 = arith.constant dense<0.000000e+00> : vector<256xf32>
    %reduce_sum3A_336 = vector.multi_reduction <add>, %convert_element_type3A_334, %reduce_sum3A_335 [1] : vector<256x2048xf32> to vector<256xf32>
    %broadcast_in_dim3A_337 = vector.shape_cast %reduce_sum3A_336 : vector<256xf32> to vector<256x1xf32>
    %convert_element_type3A_338 = arith.truncf %broadcast_in_dim3A_337 : vector<256x1xf32> to vector<256x1xbf16>
    %slice3A_339 = vector.extract_strided_slice %get3A_9 {offsets = [0, 896], sizes = [2048, 64], strides = [1, 1]} : vector<2048x1024xbf16> to vector<2048x64xbf16>
    %dot_general3A_340 = arith.constant dense<0.000000e+00> : vector<256x64xf32>
    %dot_general3A_341 = tpu.matmul %exp3A_333, %slice3A_339, %dot_general3A_340 {dimension_numbers = #tpu.dot_dimension_numbers<[1], [0], [0], [1], [0, 0, 1, 1], [], []>, transpose_lhs_hint = false} : vector<256x2048xbf16>, vector<2048x64xbf16>, vector<256x64xf32> -> vector<256x64xf32>
    %convert_element_type3A_342 = arith.extf %convert_element_type3A_338 : vector<256x1xbf16> to vector<256x1xf32>
    %div3A_343 = vector.broadcast %convert_element_type3A_342 : vector<256x1xf32> to vector<256x64xf32>
    %div3A_344 = arith.divf %dot_general3A_341, %div3A_343 : vector<256x64xf32>
    %convert_element_type3A_345 = arith.truncf %div3A_344 : vector<256x64xf32> to vector<256x64xbf16>
    %slice3A_346 = vector.extract_strided_slice %mul3A_3 {offsets = [0, 960], sizes = [256, 64], strides = [1, 1]} : vector<256x1024xbf16> to vector<256x64xbf16>
    %slice3A_347 = vector.extract_strided_slice %get3A_6 {offsets = [0, 960], sizes = [2048, 64], strides = [1, 1]} : vector<2048x1024xbf16> to vector<2048x64xbf16>
    %dot_general3A_348 = arith.constant dense<0.000000e+00> : vector<256x2048xf32>
    %dot_general3A_349 = tpu.matmul %slice3A_346, %slice3A_347, %dot_general3A_348 {dimension_numbers = #tpu.dot_dimension_numbers<[1], [1], [0], [0], [0, 0, 1, 0], [], []>, transpose_lhs_hint = false} : vector<256x64xbf16>, vector<2048x64xbf16>, vector<256x2048xf32> -> vector<256x2048xf32>
    %convert_element_type3A_350 = arith.truncf %dot_general3A_349 : vector<256x2048xf32> to vector<256x2048xbf16>
    %reduce_max3A_351 = arith.constant dense<0xFF80> : vector<256xbf16>
    %reduce_max3A_352 = vector.multi_reduction <maximumf>, %convert_element_type3A_350, %reduce_max3A_351 [1] : vector<256x2048xbf16> to vector<256xbf16>
    %broadcast_in_dim3A_353 = vector.shape_cast %reduce_max3A_352 : vector<256xbf16> to vector<256x1xbf16>
    %sub3A_354 = vector.broadcast %broadcast_in_dim3A_353 : vector<256x1xbf16> to vector<256x2048xbf16>
    %sub3A_355 = arith.subf %convert_element_type3A_350, %sub3A_354 : vector<256x2048xbf16>
    %exp3A_356 = math.exp %sub3A_355 : vector<256x2048xbf16>
    %convert_element_type3A_357 = arith.extf %exp3A_356 : vector<256x2048xbf16> to vector<256x2048xf32>
    %reduce_sum3A_358 = arith.constant dense<0.000000e+00> : vector<256xf32>
    %reduce_sum3A_359 = vector.multi_reduction <add>, %convert_element_type3A_357, %reduce_sum3A_358 [1] : vector<256x2048xf32> to vector<256xf32>
    %broadcast_in_dim3A_360 = vector.shape_cast %reduce_sum3A_359 : vector<256xf32> to vector<256x1xf32>
    %convert_element_type3A_361 = arith.truncf %broadcast_in_dim3A_360 : vector<256x1xf32> to vector<256x1xbf16>
    %slice3A_362 = vector.extract_strided_slice %get3A_9 {offsets = [0, 960], sizes = [2048, 64], strides = [1, 1]} : vector<2048x1024xbf16> to vector<2048x64xbf16>
    %dot_general3A_363 = arith.constant dense<0.000000e+00> : vector<256x64xf32>
    %dot_general3A_364 = tpu.matmul %exp3A_356, %slice3A_362, %dot_general3A_363 {dimension_numbers = #tpu.dot_dimension_numbers<[1], [0], [0], [1], [0, 0, 1, 1], [], []>, transpose_lhs_hint = false} : vector<256x2048xbf16>, vector<2048x64xbf16>, vector<256x64xf32> -> vector<256x64xf32>
    %convert_element_type3A_365 = arith.extf %convert_element_type3A_361 : vector<256x1xbf16> to vector<256x1xf32>
    %div3A_366 = vector.broadcast %convert_element_type3A_365 : vector<256x1xf32> to vector<256x64xf32>
    %div3A_367 = arith.divf %dot_general3A_364, %div3A_366 : vector<256x64xf32>
    %convert_element_type3A_368 = arith.truncf %div3A_367 : vector<256x64xf32> to vector<256x64xbf16>
    %concatenate3A = tpu.concatenate %convert_element_type3A_23, %convert_element_type3A_46, %convert_element_type3A_69, %convert_element_type3A_92, %convert_element_type3A_115, %convert_element_type3A_138, %convert_element_type3A_161, %convert_element_type3A_184, %convert_element_type3A_207, %convert_element_type3A_230, %convert_element_type3A_253, %convert_element_type3A_276, %convert_element_type3A_299, %convert_element_type3A_322, %convert_element_type3A_345, %convert_element_type3A_368 in 1 : vector<256x64xbf16>, vector<256x64xbf16>, vector<256x64xbf16>, vector<256x64xbf16>, vector<256x64xbf16>, vector<256x64xbf16>, vector<256x64xbf16>, vector<256x64xbf16>, vector<256x64xbf16>, vector<256x64xbf16>, vector<256x64xbf16>, vector<256x64xbf16>, vector<256x64xbf16>, vector<256x64xbf16>, vector<256x64xbf16>, vector<256x64xbf16> -> vector<256x1024xbf16>
    %get3A_369 = arith.constant 0 : index
    %get3A_370 = arith.constant 0 : index
    %get3A_371 = vector.load %arg4[%get3A_369, %get3A_370] : memref<1024x1024xbf16, #tpu.memory_space<vmem>>, vector<1024x1024xbf16>
    %dot_general3A_372 = arith.constant dense<0.000000e+00> : vector<256x1024xf32>
    %dot_general3A_373 = tpu.matmul %concatenate3A, %get3A_371, %dot_general3A_372 {dimension_numbers = #tpu.dot_dimension_numbers<[1], [0], [0], [1], [0, 0, 1, 1], [], []>, transpose_lhs_hint = false} : vector<256x1024xbf16>, vector<1024x1024xbf16>, vector<256x1024xf32> -> vector<256x1024xf32>
    %get3A_374 = arith.constant 0 : index
    %get3A_375 = arith.constant 0 : index
    %get3A_376 = vector.load %arg5[%get3A_374, %get3A_375] : memref<1x1024xf32, #tpu.memory_space<vmem>>, vector<1x1024xf32>
    %add3A = vector.broadcast %get3A_376 : vector<1x1024xf32> to vector<256x1024xf32>
    %add3A_377 = arith.addf %dot_general3A_373, %add3A : vector<256x1024xf32>
    %get3A_378 = arith.constant 0 : index
    %get3A_379 = arith.constant 0 : index
    %get3A_380 = vector.load %arg6[%get3A_378, %get3A_379] : memref<256x1024xf32, #tpu.memory_space<vmem>>, vector<256x1024xf32>
    %add3A_381 = arith.addf %get3A_380, %add3A_377 : vector<256x1024xf32>
    %reduce_sum3A_382 = arith.constant dense<0.000000e+00> : vector<256xf32>
    %reduce_sum3A_383 = vector.multi_reduction <add>, %add3A_381, %reduce_sum3A_382 [1] : vector<256x1024xf32> to vector<256xf32>
    %broadcast_in_dim3A_384 = vector.shape_cast %reduce_sum3A_383 : vector<256xf32> to vector<256x1xf32>
    %div3A_385 = arith.constant 1.024000e+03 : f32
    %div3A_386 = vector.broadcast %div3A_385 : f32 to vector<256x1xf32>
    %div3A_387 = arith.divf %broadcast_in_dim3A_384, %div3A_386 : vector<256x1xf32>
    %sub3A_388 = vector.broadcast %div3A_387 : vector<256x1xf32> to vector<256x1024xf32>
    %sub3A_389 = arith.subf %add3A_381, %sub3A_388 : vector<256x1024xf32>
    %integer_pow3A = arith.mulf %sub3A_389, %sub3A_389 : vector<256x1024xf32>
    %reduce_sum3A_390 = arith.constant dense<0.000000e+00> : vector<256xf32>
    %reduce_sum3A_391 = vector.multi_reduction <add>, %integer_pow3A, %reduce_sum3A_390 [1] : vector<256x1024xf32> to vector<256xf32>
    %broadcast_in_dim3A_392 = vector.shape_cast %reduce_sum3A_391 : vector<256xf32> to vector<256x1xf32>
    %div3A_393 = arith.constant 1.024000e+03 : f32
    %div3A_394 = vector.broadcast %div3A_393 : f32 to vector<256x1xf32>
    %div3A_395 = arith.divf %broadcast_in_dim3A_392, %div3A_394 : vector<256x1xf32>
    %sub3A_396 = vector.broadcast %div3A_387 : vector<256x1xf32> to vector<256x1024xf32>
    %sub3A_397 = arith.subf %add3A_381, %sub3A_396 : vector<256x1024xf32>
    %add3A_398 = arith.constant 9.99999974E-6 : f32
    %add3A_399 = vector.broadcast %add3A_398 : f32 to vector<256x1xf32>
    %add3A_400 = arith.addf %div3A_395, %add3A_399 : vector<256x1xf32>
    %rsqrt3A = math.rsqrt %add3A_400 : vector<256x1xf32>
    %mul3A_401 = vector.broadcast %rsqrt3A : vector<256x1xf32> to vector<256x1024xf32>
    %mul3A_402 = arith.mulf %sub3A_397, %mul3A_401 : vector<256x1024xf32>
    %get3A_403 = arith.constant 0 : index
    %get3A_404 = arith.constant 0 : index
    %get3A_405 = vector.load %arg8[%get3A_403, %get3A_404] : memref<1x1024xf32, #tpu.memory_space<vmem>>, vector<1x1024xf32>
    %mul3A_406 = vector.broadcast %get3A_405 : vector<1x1024xf32> to vector<256x1024xf32>
    %mul3A_407 = arith.mulf %mul3A_402, %mul3A_406 : vector<256x1024xf32>
    %get3A_408 = arith.constant 0 : index
    %get3A_409 = arith.constant 0 : index
    %get3A_410 = vector.load %arg9[%get3A_408, %get3A_409] : memref<1x1024xf32, #tpu.memory_space<vmem>>, vector<1x1024xf32>
    %add3A_411 = vector.broadcast %get3A_410 : vector<1x1024xf32> to vector<256x1024xf32>
    %add3A_412 = arith.addf %mul3A_407, %add3A_411 : vector<256x1024xf32>
    %get3A_413 = arith.constant 0 : index
    %get3A_414 = arith.constant 0 : index
    %get3A_415 = vector.load %arg7[%get3A_413, %get3A_414] : memref<256x1024xf32, #tpu.memory_space<vmem>>, vector<256x1024xf32>
    %add3A_416 = arith.addf %add3A_412, %get3A_415 : vector<256x1024xf32>
    %reduce_sum3A_417 = arith.constant dense<0.000000e+00> : vector<256xf32>
    %reduce_sum3A_418 = vector.multi_reduction <add>, %add3A_416, %reduce_sum3A_417 [1] : vector<256x1024xf32> to vector<256xf32>
    %broadcast_in_dim3A_419 = vector.shape_cast %reduce_sum3A_418 : vector<256xf32> to vector<256x1xf32>
    %div3A_420 = arith.constant 1.024000e+03 : f32
    %div3A_421 = vector.broadcast %div3A_420 : f32 to vector<256x1xf32>
    %div3A_422 = arith.divf %broadcast_in_dim3A_419, %div3A_421 : vector<256x1xf32>
    %sub3A_423 = vector.broadcast %div3A_422 : vector<256x1xf32> to vector<256x1024xf32>
    %sub3A_424 = arith.subf %add3A_416, %sub3A_423 : vector<256x1024xf32>
    %integer_pow3A_425 = arith.mulf %sub3A_424, %sub3A_424 : vector<256x1024xf32>
    %reduce_sum3A_426 = arith.constant dense<0.000000e+00> : vector<256xf32>
    %reduce_sum3A_427 = vector.multi_reduction <add>, %integer_pow3A_425, %reduce_sum3A_426 [1] : vector<256x1024xf32> to vector<256xf32>
    %broadcast_in_dim3A_428 = vector.shape_cast %reduce_sum3A_427 : vector<256xf32> to vector<256x1xf32>
    %div3A_429 = arith.constant 1.024000e+03 : f32
    %div3A_430 = vector.broadcast %div3A_429 : f32 to vector<256x1xf32>
    %div3A_431 = arith.divf %broadcast_in_dim3A_428, %div3A_430 : vector<256x1xf32>
    %sub3A_432 = vector.broadcast %div3A_422 : vector<256x1xf32> to vector<256x1024xf32>
    %sub3A_433 = arith.subf %add3A_416, %sub3A_432 : vector<256x1024xf32>
    %add3A_434 = arith.constant 9.99999974E-6 : f32
    %add3A_435 = vector.broadcast %add3A_434 : f32 to vector<256x1xf32>
    %add3A_436 = arith.addf %div3A_431, %add3A_435 : vector<256x1xf32>
    %rsqrt3A_437 = math.rsqrt %add3A_436 : vector<256x1xf32>
    %mul3A_438 = vector.broadcast %rsqrt3A_437 : vector<256x1xf32> to vector<256x1024xf32>
    %mul3A_439 = arith.mulf %sub3A_433, %mul3A_438 : vector<256x1024xf32>
    %get3A_440 = arith.constant 0 : index
    %get3A_441 = arith.constant 0 : index
    %get3A_442 = vector.load %arg10[%get3A_440, %get3A_441] : memref<1x1024xf32, #tpu.memory_space<vmem>>, vector<1x1024xf32>
    %mul3A_443 = vector.broadcast %get3A_442 : vector<1x1024xf32> to vector<256x1024xf32>
    %mul3A_444 = arith.mulf %mul3A_439, %mul3A_443 : vector<256x1024xf32>
    %get3A_445 = arith.constant 0 : index
    %get3A_446 = arith.constant 0 : index
    %get3A_447 = vector.load %arg11[%get3A_445, %get3A_446] : memref<1x1024xf32, #tpu.memory_space<vmem>>, vector<1x1024xf32>
    %add3A_448 = vector.broadcast %get3A_447 : vector<1x1024xf32> to vector<256x1024xf32>
    %add3A_449 = arith.addf %mul3A_444, %add3A_448 : vector<256x1024xf32>
    %swap3A = arith.constant 0 : index
    %swap3A_450 = arith.constant 0 : index
    %swap3A_451 = vector.load %arg12[%swap3A, %swap3A_450] : memref<256x1024xf32, #tpu.memory_space<vmem>>, vector<256x1024xf32>
    tpu.vector_store %arg12[%swap3A, %swap3A_450], %add3A_449 {strides = array<i32>} : memref<256x1024xf32, #tpu.memory_space<vmem>>, vector<256x1024xf32>,
    return
  }
  func.func @transform_0(%arg0: i32) -> (i32, i32) {
    %c0_i32 = arith.constant 0 : i32
    %c0_i32_0 = arith.constant 0 : i32
    return %arg0, %c0_i32 : i32, i32
  }
  func.func @transform_1(%arg0: i32) -> (i32, i32) {
    %c0_i32 = arith.constant 0 : i32
    %c1_i32 = arith.constant 1 : i32
    %c0_i32_0 = arith.constant 0 : i32
    return %c0_i32, %c1_i32 : i32, i32
  }
  func.func @transform_2(%arg0: i32) -> (i32, i32) {
    %c0_i32 = arith.constant 0 : i32
    %c2_i32 = arith.constant 2 : i32
    %c0_i32_0 = arith.constant 0 : i32
    return %c0_i32, %c2_i32 : i32, i32
  }
  func.func @transform_3(%arg0: i32) -> (i32, i32) {
    %c0_i32 = arith.constant 0 : i32
    %c0_i32_0 = arith.constant 0 : i32
    %c0_i32_1 = arith.constant 0 : i32
    return %c0_i32, %c0_i32_0 : i32, i32
  }
  func.func @transform_4(%arg0: i32) -> (i32, i32) {
    %c0_i32 = arith.constant 0 : i32
    %c0_i32_0 = arith.constant 0 : i32
    %c0_i32_1 = arith.constant 0 : i32
    return %c0_i32, %c0_i32_0 : i32, i32
  }
  func.func @transform_5(%arg0: i32) -> (i32, i32) {
    %c0_i32 = arith.constant 0 : i32
    %c0_i32_0 = arith.constant 0 : i32
    return %arg0, %c0_i32 : i32, i32
  }
  func.func @transform_6(%arg0: i32) -> (i32, i32) {
    %c0_i32 = arith.constant 0 : i32
    %c0_i32_0 = arith.constant 0 : i32
    return %arg0, %c0_i32 : i32, i32
  }
  func.func @transform_7(%arg0: i32) -> (i32, i32) {
    %c0_i32 = arith.constant 0 : i32
    %c0_i32_0 = arith.constant 0 : i32
    %c0_i32_1 = arith.constant 0 : i32
    return %c0_i32, %c0_i32_0 : i32, i32
  }
  func.func @transform_8(%arg0: i32) -> (i32, i32) {
    %c0_i32 = arith.constant 0 : i32
    %c0_i32_0 = arith.constant 0 : i32
    %c0_i32_1 = arith.constant 0 : i32
    return %c0_i32, %c0_i32_0 : i32, i32
  }
  func.func @transform_9(%arg0: i32) -> (i32, i32) {
    %c0_i32 = arith.constant 0 : i32
    %c0_i32_0 = arith.constant 0 : i32
    %c0_i32_1 = arith.constant 0 : i32
    return %c0_i32, %c0_i32_0 : i32, i32
  }
  func.func @transform_10(%arg0: i32) -> (i32, i32) {
    %c0_i32 = arith.constant 0 : i32
    %c0_i32_0 = arith.constant 0 : i32
    %c0_i32_1 = arith.constant 0 : i32
    return %c0_i32, %c0_i32_0 : i32, i32
  }
  func.func @transform_11(%arg0: i32) -> (i32, i32) {
    %c0_i32 = arith.constant 0 : i32
    %c0_i32_0 = arith.constant 0 : i32
    return %arg0, %c0_i32 : i32, i32
  }
}

</mosaic_0001>

<sc_bundles>
// kernel: _run.6.cloned.1.call-start
scs
__scs_entry_jumppad:
0x0: {  	(pc) =	sbr.rel $0x88, $3  }
0x1: {  	(tag) =	ssettag $0x0;
	lr =	simm.s32 $0x1  }
0x2: {  	[smem:$0x3F8E] =	sst lr;
	_ =	strace $0xD0000000  }
0x3: {  	_ = 	snop  }
0x4: {  	_ = 	snop  }
0x5: {  	_ = 	snop  }
0x6: {  	_ = 	snop  }
0x7: {  	_ = 	snop  }
__scs_overlays_trampoline_lowered:
0x8: {  	[smem:$0x3F9D] =	sst s0  }
0x9: {  	[smem:$0x3F9E] =	sst s1  }
0xa: {  	[smem:$0x3F9F] =	sst s2  }
0xb: {  	[smem:$0x3FA0] =	sst s3  }
0xc: {  	[smem:$0x3FA1] =	sst s4  }
0xd: {  	[smem:$0x3FA2] =	sst s5  }
0xe: {  	[smem:$0x3FA3] =	sst s6  }
0xf: {  	[smem:$0x3FA4] =	sst s7  }
0x10: {  	[smem:$0x3FA5] =	sst s8  }
0x11: {  	[smem:$0x3FA6] =	sst s9;
	s0 =	simm.s32 @!p0 $0x0  }
0x12: {  	s1 =	sld [smem:$0x3F8C];
	s0 =	simm.s32 @p0 $0x1  }
0x13: {  	[smem:$0x3FA7] =	sst s0;
	s0 =	simm.s32 @!p1 $0x0  }
0x14: {  	s2 =	sld [smem:$0x3F8B];
	s0 =	simm.s32 @p1 $0x1  }
0x15: {  	[smem:$0x3FA8] =	sst s0;
	s0 =	simm.s32 @!p2 $0x0  }
0x16: {  	s3 =	sld [smem:$0x3FDB];
	s0 =	simm.s32 @p2 $0x1  }
0x17: {  	s4 =	simm.s32 $0x1BF5;
	[smem:$0x3FAA] =	sst s0  }
0x18: {  	s0 =	sld [smem:$0x3F8D];
	_ =	swait.ge [sflag:s4], $0x0  }
0x19: {  	s7 =	sld [smem:$0x3F8E]  }
0x1a: {  	s8 =	sadd.s32 $0xFFFFE003, lr  }
0x1b: {  	s9 =	sadd.s32 $0xFFFFFEF7, lr;
	s5 =	simm.s32 $0xFFFFFFFF;
	p2 =	slt.u32 s8, $0xFFFFF086  }
0x1c: {  	p1 =	slt.u32 s9, $0xF7A;
	s5 =	simm.s32 @!p2 $0x0  }
0x1d: {  	s5 =	simm.s32 @p1 $0x1;
	p0 =	seq.s32 s7, s2  }
0x1e: {  	s7 =	smul.u32 @!p0 $0xF7A, s2;
	p2 =	seq.s32 @!p0 s5, $0x0  }
0x1f: {  	s9 =	smul.u32 $0xF7A, s1;
	s8 =	simm.s32 @!p0 $0x1BF5;
	p2 =	por !p2, p0  }
0x20: {  	[sflag:s8] =	ssyncset.s32 @!p0 $0xFFFFF086;
	s6 =	sadd.s32 @!p0 s3, s7;
	s7 =	simm.s32 @!p0 $0x108  }
0x21: {  	s3 =	sadd.s32 s3, s9;
	s6 =	sadd.s32 @!p0 $0x88, s6;
	s7 =	simm.s32 @p2 $0x1082  }
0x22: {  	[simem:s7], [sflag:s8] =	dma.local @!p0 [hbm:s6], $0xF7A  }
0x23: {  	s9 =	sor.u32 $0xD0000000, s2;
	s6 =	simm.s32 $0x108;
	_ =	swait.ge @!p0 [sflag:s8], $0x0  }
0x24: {  	s3 =	sadd.s32 $0x88, s3;
	s6 =	simm.s32 @!p1 $0x1082;
	[sflag:s4] =	ssyncset.s32 $0xFFFFF086  }
0x25: {  	[simem:s6], [sflag:s4] =	dma.local [hbm:s3], $0xF7A  }
0x26: {  	[smem:$0x3F8E] =	sst s1;
	(tag) =	ssettag s2;
	_ =	strace s9  }
0x27: {  	s1 =	sld [smem:$0x3F9E]  }
0x28: {  	s2 =	sld [smem:$0x3F9F]  }
0x29: {  	s4 =	sld [smem:$0x3FA1]  }
0x2a: {  	p0 =	seq.s32 s5, $0x0;
	s5 =	sld [smem:$0x3FA2]  }
0x2b: {  	s6 =	sld [smem:$0x3FA3]  }
0x2c: {  	s7 =	sld [smem:$0x3FA4]  }
0x2d: {  	s3 =	simm.s32 $0x108;
	s8 =	sld [smem:$0x3FA5]  }
0x2e: {  	s3 =	simm.s32 @!p0 $0x1082;
	s9 =	sld [smem:$0x3FA6]  }
0x2f: {  	lr =	sadd.s32 s0, s3;
	s0 =	sld [smem:$0x3F9D]  }
0x30: {  	s3 =	sld [smem:$0x3FA0]  }
0x31: {  	[smem:$0x3FA9] =	sst s10  }
0x32: {  	s10 =	sld [smem:$0x3FA7];
	_ =	sdelay $0x3  }
0x33: {  	p0 =	seq.s32 s10, $0x1;
	s10 =	sld [smem:$0x3FA9];
	_ =	sdelay $0x3  }
0x34: {  	[smem:$0x3FA9] =	sst s10  }
0x35: {  	s10 =	sld [smem:$0x3FA8];
	_ =	sdelay $0x3  }
0x36: {  	p1 =	seq.s32 s10, $0x1;
	s10 =	sld [smem:$0x3FA9];
	_ =	sdelay $0x3  }
0x37: {  	[smem:$0x3FA9] =	sst s10  }
0x38: {  	s10 =	sld [smem:$0x3FAA]  }
0x39: {  	_ = 	snop;
	(pc) =	sbr.ind lr, $3  }
0x3a: {  	_ = 	snop  }
0x3b: {  	_ = 	snop  }
0x3c: {  	p2 =	seq.s32 s10, $0x1;
	s10 =	sld [smem:$0x3FA9]  }
0x3d: {  	_ =	shalt  }
0x3e: {  	_ =	shalt  }
0x3f: {  	_ =	shalt  }
0x40: {  	_ =	shalt  }
0x41: {  	_ =	shalt  }
0x42: {  	_ =	shalt  }
0x43: {  	_ =	shalt  }
0x44: {  	_ =	shalt  }
0x45: {  	_ =	shalt  }
0x46: {  	_ =	shalt  }
0x47: {  	_ =	shalt  }
0x48: {  	_ =	shalt  }
0x49: {  	_ =	shalt  }
0x4a: {  	_ =	shalt  }
0x4b: {  	_ =	shalt  }
0x4c: {  	_ =	shalt  }
0x4d: {  	_ =	shalt  }
0x4e: {  	_ =	shalt  }
0x4f: {  	_ =	shalt  }
0x50: {  	_ =	shalt  }
0x51: {  	_ =	shalt  }
0x52: {  	_ =	shalt  }
0x53: {  	_ =	shalt  }
0x54: {  	_ =	shalt  }
0x55: {  	_ =	shalt  }
0x56: {  	_ =	shalt  }
0x57: {  	_ =	shalt  }
0x58: {  	_ =	shalt  }
0x59: {  	_ =	shalt  }
0x5a: {  	_ =	shalt  }
0x5b: {  	_ =	shalt  }
0x5c: {  	_ =	shalt  }
0x5d: {  	_ =	shalt  }
0x5e: {  	_ =	shalt  }
0x5f: {  	_ =	shalt  }
0x60: {  	_ =	shalt  }
0x61: {  	_ =	shalt  }
0x62: {  	_ =	shalt  }
0x63: {  	_ =	shalt  }
0x64: {  	_ =	shalt  }
0x65: {  	_ =	shalt  }
0x66: {  	_ =	shalt  }
0x67: {  	_ =	shalt  }
0x68: {  	_ =	shalt  }
0x69: {  	_ =	shalt  }
0x6a: {  	_ =	shalt  }
0x6b: {  	_ =	shalt  }
0x6c: {  	_ =	shalt  }
0x6d: {  	_ =	shalt  }
0x6e: {  	_ =	shalt  }
0x6f: {  	_ =	shalt  }
0x70: {  	_ =	shalt  }
0x71: {  	_ =	shalt  }
0x72: {  	_ =	shalt  }
0x73: {  	_ =	shalt  }
0x74: {  	_ =	shalt  }
0x75: {  	_ =	shalt  }
0x76: {  	_ =	shalt  }
0x77: {  	_ =	shalt  }
0x78: {  	_ =	shalt  }
0x79: {  	_ =	shalt  }
0x7a: {  	_ =	shalt  }
0x7b: {  	_ =	shalt  }
0x7c: {  	_ =	shalt  }
0x7d: {  	_ =	shalt  }
0x7e: {  	_ =	shalt  }
0x7f: {  	_ =	shalt  }
0x80: {  	_ =	shalt  }
0x81: {  	_ =	shalt  }
0x82: {  	_ =	shalt  }
0x83: {  	_ =	shalt  }
0x84: {  	_ =	shalt  }
0x85: {  	_ =	shalt  }
0x86: {  	_ =	shalt  }
0x87: {  	_ =	shalt  }
.Lfunc_end0:
.L_simem_size_0:
called_computation_lowered:
.L_overlay_start_0:
0x88: {  	s2 =	sld [smem:$0x3FD9]  }
0x89: {  	s3 =	sld [smem:$0x3FFE];
	_ =	sdelay $0x1  }
0x8a: {  	s1 =	srdreg.scid  }
0x8b: {  	s0 =	sand.u32 $0x1, s1  }
0x8c: {  	s17 =	sshll.u32 s0, $0xA;
	s2 =	sadd.s32 s3, s2  }
0x8d: {  	s2 =	sadd.s32 s2, s17  }
0x8e: {  	[smem:$0x3FB5] =	sst s2  }
0x8f: {  	_ = 	snop  }
0x90: {  	s2 =	sld [smem:$0x3FD0];
	(tm) =	ssettm $0x1  }
0x91: {  	s18 =	sld [smem:$0x3FFB];
	_ =	sdelay $0x3  }
0x92: {  	_ =	strace s18  }
0x93: {  	s3 =	sld [smem:$0x3FFC];
	_ =	sdelay $0x3  }
0x94: {  	_ =	strace s3  }
0x95: {  	s3 =	sld [smem:$0x3FFD];
	_ =	sdelay $0x3  }
0x96: {  	_ =	strace s3  }
0x97: {  	_ =	strace $0x8FFFFFFF  }
0x98: {  	s19 =	sld [smem:$0x3FDB];
	_ =	sdelay $0x1  }
0x99: {  	s4 =	simm.s32 $_scs_section_size  }
0x9a: {  	s5 =	simm.s32 $_size__tile_overlayer_lowered;
	s6 =	simm.s32 $_tile_overlayer_lowered  }
0x9b: {  	s22 =	simm.s32 $0x1BFF;
	s21 =	sshll.u32 s6, $0x1;
	s3 =	sadd.s32 s4, s19  }
0x9c: {  	s7 =	simm.s32 $0x0;
	s20 =	sshll.u32 s5, $0x1;
	s5 =	sadd.s32 s21, s3  }
0x9d: {  	[timem:s7], [sflag:s22] =	dma.local [hbm:s5], s20  }
0x9e: {  	_ =	swait.ge [sflag:s22], s20  }
0x9f: {  	s4 =	ssub.s32 $0x0, s20;
	[sflag:s22] =	ssyncset.done $0x0  }
0xa0: {  	[sflag:s22] =	ssyncadd.s32 s4;
	_ =	sdelay $0x1  }
0xa1: {  	s23 =	simm.s32 $0x1B8B  }
0xa2: {  	_ =	swait.ge [sflag:s23], $0x1  }
0xa3: {  	[sflag:s23] =	ssyncset.done $0x0  }
0xa4: {  	s25 =	simm.s32 $0x1B8E;
	s24 =	sld [smem:$0x3FFE];
	[sflag:s23] =	ssyncadd.s32 $0xFFFFFFFF  }
0xa5: {  	s26 =	simm.s32 $execute0_lowered;
	[smem:$0x3FD2] =	sst s25  }
0xa6: {  	s5 =	sshll.u32 s26, $0x1;
	_ =	strace $0x80000046;
	[dreg:$0x1] =	wrdreg $0xFFFFFFFF  }
0xa7: {  	s28 =	simm.s32 $_size_execute0_lowered;
	s3 =	sadd.s32 s3, s5;
	[dreg:$0x0] =	wrdreg $0x0  }
0xa8: {  	s5 =	sshll.u32 s28, $0x1;
	[dreg:$0x2] =	wrdreg s3  }
0xa9: {  	[dreg:$0x3] =	wrdreg s5  }
0xaa: {  	[dreg:$0x4] =	wrdreg $0xC0  }
0xab: {  	_ =	task [dreg:s7], $0x5FFFF  }
0xac: {  	[dreg:$0x1] =	wrdreg $0xFFFFFFFF  }
0xad: {  	[dreg:$0x0] =	wrdreg $0x60  }
0xae: {  	[dreg:$0x2] =	wrdreg s2  }
0xaf: {  	[dreg:$0x3] =	wrdreg s24  }
0xb0: {  	[dreg:$0x4] =	wrdreg $0x9  }
0xb1: {  	_ =	task.clear_ibuf [dreg:s7], $0x5FFFF;
	_ =	strace $0x90000046  }
0xb2: {  	s29 =	simm.s32 $0x9;
	_ =	strace $0x80000048  }
0xb3: {  	_ =	swait.ge [sflag:s29], $0x1  }
0xb4: {  	[sflag:s29] =	ssyncadd.s32 $0xFFFFFFFF  }
0xb5: {  	_ =	strace $0x90000048  }
0xb6: {  	_ =	sfence  }
0xb7: {  	s30 =	sld [smem:$0x0];
	_ =	sdelay $0x2  }
0xb8: {  	s31 =	sshll.u32 s1, $0xD;
	s1 =	sshrl.u32 s1, $0x2  }
0xb9: {  	s3 =	sand.u32 $0x4000, s31;
	s1 =	sadd.s32 s1, s30  }
0xba: {  	s0 =	sor.u32 s3, s0;
	s1 =	sshll.u32 s1, $0x11  }
0xbb: {  	s0 =	sor.u32 s1, s0  }
0xbc: {  	s0 =	sadd.s32 $0x8F2B, s0  }
0xbd: {  	[sflag:s0] =	ssyncadd.remote.s32 $0x1  }
0xbe: {  	_ =	sfence.sel $0xFFFF  }
0xbf: {  	[dreg:$0x0] =	wrdreg $0xFFFFFFFF;
	(pc) =	sbr.abs _section_cstart, $3  }
0xc0: {  	[dreg:$0x1] =	wrdreg $0xFFFFFFFF  }
0xc1: {  	_ =	task.clear_ibuf [dreg:s7], $0x2FFFF;
	_ =	strace $0x9FFFFFFF  }
0xc2: {  	(tm) =	ssettm $0x7FFFFFFF  }
0xc3: {  	_ =	shalt  }
tec
execute0_lowered:
.L_overlay_start_1:
0x0: {  	(tag) =	ssettag $0x1  }
0x1: {  	s1 =	srdreg.scid  }
0x2: {  	s0 =	stileid.u32;
	s4 =	rddreg [dreg:$0x0]  }
0x3: {  	s6 =	rddreg [dreg:$0x1];
	s2 =	simm.s32 $0x0;
	s7 =	simm.s32 $0x1  }
0x4: {  	s3 =	sand.u32 $0x1, s1;
	s28 =	sshll.u32 s0, $0x1;
	s1 =	rddreg [dreg:$0x2]  }
0x5: {  	[smem:$0x7FF] =	sst s2;
	s5 =	sor.u32 s3, s28;
	p1 =	seq.s32 s3, $0x1  }
0x6: {  	_ =	strace $0x80000047;
	s30 =	sshll.u32 s3, $0x6;
	p0 =	seq.s32 s5, $0x0  }
0x7: {  	s8 =	ssub.s32 $0x2, s3;
	s31 =	sor.u32 $0x10, s30;
	p0 =	por !p0, !p1  }
0x8: {  	s10 =	sor.u32 $0x20, s30;
	s11 =	sor.u32 $0x30, s30;
	v2 =	vmov s30;
	p0 =	por !p0, !p0  }
0x9: {  	s3 =	simm.s32 $0x1;
	s5 =	sshll.u32 s5, $0xA;
	v3 =	vmov s31;
	v4 =	vmov s10;
	v5 =	vmov s11;
	s7 =	simm.s32 @!p0 $0x0  }
0xa: {  	s9 =	sshrl.u32 s8, $0x1;
	s5 =	sadd.s32 s5, s6;
	s7 =	ssub.s32 s0, s7  }
0xb: {  	s29 =	ssub.s32 s8, s9;
	s8 =	simm.s32 $0x4000;
	s7 =	sshll.u32 s7, $0x7  }
0xc: {  	s9 =	simm.s32 $0x0;
	s5 =	sadd.s32 $0x3A00, s5;
	s7 =	sand.u32 $0x1FFFFF80, s7  }
0xd: {  	v0 =	vimm.s32 $0x0;
	v1 =	vimm.s32 $0x8;
	s6 =	smax.u32 s29, $0x1;
	s4 =	sadd.s32 s4, s7;
	s7 =	simm.s32 $0x400  }
.LBB2_1:
0xe: {  	[tilespmem:s2], [sflag:$0x1] =	stream.strided.gather [hbm4b:s4+s7], $0x4000, s8, s7, $0x38;
	[tilespmem:$0x6000] =	vst v63  }
0xf: {  	_ =	swait.ge [sflag:s3], $0x4000  }
0x10: {  	[sflag:s3] =	ssyncset.done $0x0  }
0x11: {  	s10 =	simm.s32 $0x0;
	[sflag:s3] =	ssyncadd.s32 $0xFFFFC000  }
0x12: {  	v6 =	vld.idx.msk [tilespmem:v2+s10+$0x0 ss:$0x1], $0xffff;
	_ =	sdelay $0x3  }
0x13: {  	v9 =	vimm.f32 $-1.000000020e+30  }
0x14: {  	s31 =	simm.s32 $0x80;
	v11 =	vmin.f32 v9, v6  }
0x15: {  	v17 =	vld.idx.msk [tilespmem:v2+s31+$0x0 ss:$0x1], $0xffff;
	v15 =	vmin.f32 v9, v11  }
0x16: {  	v12 =	vmin.f32 v9, v15  }
0x17: {  	v10 =	vmin.f32 v9, v12  }
0x18: {  	v19 =	vimm.f32 $-1.000000020e+30;
	v8 =	vmin.f32 v9, v10  }
0x19: {  	v20 =	vimm.f32 $-1.000000020e+30;
	v16 =	vmax.f32 v9, v6;
	v7 =	vmin.f32 v9, v8  }
0x1a: {  	v18 =	vimm.f32 $-1.000000020e+30;
	v14 =	vmin.f32 v16, v17;
	v6 =	vmin.f32 v9, v7  }
0x1b: {  	s11 =	simm.s32 $0x100;
	s10 =	simm.s32 $0x600;
	v13 =	vmax.f32 v9, v11;
	v11 =	vimm.f32 $-1.000000020e+30;
	v6 =	vmax.f32 v9, v6  }
.LBB2_2:
0x1c: {  	p0 =	sne.s32 s10, $0x7E00;
	v21 =	vld.idx.msk [tilespmem:v2+s11+$0x0 ss:$0x1], $0xffff;
	v9 =	vmax.f32 v9, v15;
	v15 =	vmin.f32 v13, v14  }
0x1d: {  	v19 =	vmax.f32 v19, v12;
	v12 =	vmin.f32 v9, v15  }
.Ltmp0:
0x1e: {  	v20 =	vmax.f32 v20, v10;
	v10 =	vmin.f32 v19, v12;
	(pc) =	sbr.rel @p0 .LBB2_2-.Ltmp0, $4  }
0x1f: {  	v18 =	vmax.f32 v18, v8;
	v8 =	vmin.f32 v20, v10  }
0x20: {  	v11 =	vmax.f32 v11, v7;
	v7 =	vmin.f32 v18, v8  }
0x21: {  	v16 =	vmax.f32 v16, v17;
	v22 =	vmin.f32 v11, v7  }
0x22: {  	s11 =	sshra.s32 s10, $0x2;
	s10 =	sadd.s32 $0x200, s10;
	v13 =	vmax.f32 v13, v14;
	v14 =	vmin.f32 v16, v21;
	v17 =	vmovc v21;
	v6 =	vmax.f32 v6, v22  }
0x23: {  	_ =	sdelay $0x3  }
0x24: {  	v21 =	vld.idx.msk [tilespmem:v2+s11+$0x0 ss:$0x1], $0xffff;
	_ =	sdelay $0x1  }
0x25: {  	v22 =	vmin.f32 v13, v14;
	v9 =	vmax.f32 v9, v15;
	v12 =	vmax.f32 v19, v12  }
0x26: {  	v16 =	vmax.f32 v16, v17;
	v10 =	vmax.f32 v20, v10;
	v53 =	vmax.f32 v13, v14  }
0x27: {  	v8 =	vmax.f32 v18, v8;
	v7 =	vmax.f32 v11, v7;
	v15 =	vmin.f32 v9, v22  }
0x28: {  	v9 =	vmax.f32 v9, v22;
	v19 =	vmin.f32 v12, v15;
	v17 =	vmin.f32 v16, v21  }
0x29: {  	v12 =	vmax.f32 v12, v15;
	v54 =	vmin.f32 v10, v19;
	v55 =	vmin.f32 v53, v17  }
0x2a: {  	v10 =	vmax.f32 v10, v19;
	v57 =	vmin.f32 v8, v54;
	v56 =	vmin.f32 v9, v55  }
0x2b: {  	v8 =	vmax.f32 v8, v54;
	v59 =	vmin.f32 v7, v57;
	v58 =	vmin.f32 v12, v56  }
0x2c: {  	v15 =	vmax.f32 v7, v57;
	v7 =	vmax.f32 v16, v21;
	v11 =	vmin.f32 v10, v58  }
0x2d: {  	v6 =	vmax.f32 v6, v59;
	v13 =	vmax.f32 v53, v17;
	v60 =	vmin.f32 v8, v11  }
0x2e: {  	v9 =	vmax.f32 v9, v55;
	v12 =	vmax.f32 v12, v56;
	v61 =	vmin.f32 v15, v60  }
0x2f: {  	v10 =	vmax.f32 v10, v58;
	v8 =	vmax.f32 v8, v11;
	v6 =	vmax.f32 v6, v61  }
0x30: {  	v11 =	vmax.f32 v15, v60;
	vm0 =	vgt.f32 v7, v6;
	vm1 =	vgt.f32 v13, v6  }
0x31: {  	vm11 =	vgt.f32 v9, v6;
	v62 =	vsel vm0, $0xFFFFFFFF, v0;
	v9 =	vsel vm1, $0x7, v1  }
0x32: {  	vm12 =	vgt.f32 v12, v6;
	v63 =	vsel vm11, $0xFFFFFFFF, v0;
	v9 =	vadd.s32 v62, v9  }
0x33: {  	vm13 =	vgt.f32 v10, v6;
	v12 =	vsel vm12, $0xFFFFFFFF, v0;
	v9 =	vadd.s32 v63, v9  }
0x34: {  	vm14 =	vgt.f32 v8, v6;
	v10 =	vsel vm13, $0xFFFFFFFF, v0;
	v8 =	vadd.s32 v12, v9  }
0x35: {  	vm15 =	vgt.f32 v11, v6;
	v9 =	vsel vm14, $0xFFFFFFFF, v0;
	v8 =	vadd.s32 v10, v8  }
0x36: {  	v10 =	vsel vm15, $0xFFFFFFFF, v0;
	v8 =	vadd.s32 v9, v8  }
0x37: {  	s10 =	simm.s32 $0x0;
	s11 =	simm.s32 $0x200;
	v9 =	vadd.s32 v10, v8;
	v8 =	vimm.f32 $0.0e+00;
	v10 =	vimm.s32 $0x0  }
.LBB2_4:
0x38: {  	p0 =	sne.s32 s11, $0x7E00;
	v11 =	vld.idx.msk [tilespmem:v2+s10+$0x2000 ss:$0x1], $0xffff;
	_ =	sdelay $0x5  }
0x39: {  	v11 =	vsub.f32 $0.0e+00, v11;
	_ =	sdelay $0x1  }
0x3a: {  	v11 =	vmul.f32 $1.442695020e+00, v11;
	_ =	sdelay $0x1  }
0x3b: {  	(erf) = vpow2.f32 v11  }
0x3c: {  	v11 =	vld.idx.msk [tilespmem:v2+s10+$0x0 ss:$0x1], $0xffff;
	_ =	sdelay $0x5  }
0x3d: {  	v12 =	vsub.f32 v11, v7;
	_ =	sdelay $0x1  }
0x3e: {  	v12 =	vmul.f32 $1.442695020e+00, v12;
	v13 =	vpop (erf)  }
0x3f: {  	v13 =	vadd.f32 $1.000000000e+00, v13  }
0x40: {  	(erf) = vpow2.f32 v12  }
0x41: {  	(erf) = vrcp.f32 v13;
	_ =	sdelay $0x5  }
0x42: {  	vm1 =	vlt.s32 v10, v9;
	vm0 =	veq.f32 v11, v6  }
0x43: {  	vm2 =	vgt.f32 v11, v6;
	vm1 =	vmand vm1, vm0;
	v13 =	vsel vm0, $0x1, v0  }
.Ltmp1:
0x44: {  	vm0 =	vmor vm2, vm1;
	v10 =	vadd.s32 v13, v10;
	v11 =	vpop (erf);
	(pc) =	sbr.rel @p0 .LBB2_4-.Ltmp1, $3  }
0x45: {  	v11 =	vnsel vm0, $0x0, v11;
	v12 =	vpop (erf)  }
0x46: {  	v12 =	vmul.f32 v12, v11;
	v8 =	vadd.f32 v11, v8;
	_ =	sdelay $0x1  }
0x47: {  	[tilespmem:s10+$0x4000] =	vst v12;
	s10 =	sshra.s32 s11, $0x2;
	s11 =	sadd.s32 $0x200, s11  }
0x48: {  	_ =	sdelay $0x3  }
0x49: {  	v11 =	vld.idx.msk [tilespmem:v2+s10+$0x2000 ss:$0x1], $0xffff;
	_ =	sdelay $0x3  }
0x4a: {  	v12 =	vld.idx.msk [tilespmem:v2+s10+$0x0 ss:$0x1], $0xffff  }
0x4b: {  	v11 =	vsub.f32 $0.0e+00, v11;
	_ =	sdelay $0x1  }
0x4c: {  	v11 =	vmul.f32 $1.442695020e+00, v11;
	_ =	sdelay $0x1  }
0x4d: {  	v7 =	vsub.f32 v12, v7;
	(erf) = vpow2.f32 v11;
	_ =	sdelay $0x1  }
0x4e: {  	v7 =	vmul.f32 $1.442695020e+00, v7;
	_ =	sdelay $0x1  }
0x4f: {  	(erf) = vpow2.f32 v7;
	_ =	sdelay $0x4  }
0x50: {  	v7 =	vpop (erf)  }
0x51: {  	v7 =	vadd.f32 $1.000000000e+00, v7  }
0x52: {  	vm1 =	vlt.s32 v10, v9;
	vm0 =	veq.f32 v12, v6  }
0x53: {  	vm2 =	vgt.f32 v12, v6;
	vm0 =	vmand vm1, vm0;
	(erf) = vrcp.f32 v7  }
0x54: {  	vm0 =	vmor vm2, vm0;
	v6 =	vpop (erf)  }
0x55: {  	v6 =	vnsel vm0, $0x0, v6  }
0x56: {  	v7 =	vadd.f32 v6, v8;
	_ =	sdelay $0x1  }
0x57: {  	(erf) = vrcp.f32 v7;
	_ =	sdelay $0x3  }
0x58: {  	v7 =	vpop (erf)  }
0x59: {  	v6 =	vmul.f32 v7, v6;
	_ =	sdelay $0x3  }
0x5a: {  	s11 =	simm.s32 $0x200;
	[tilespmem:s10+$0x4000] =	vst v6;
	s10 =	simm.s32 $0x0;
	v6 =	vpop (erf)  }
.LBB2_6:
0x5b: {  	p0 =	sne.s32 s11, $0x7E00;
	v7 =	vld [tilespmem:s10+$0x4000];
	_ =	sdelay $0x2  }
.Ltmp2:
0x5c: {  	(pc) =	sbr.rel @p0 .LBB2_6-.Ltmp2, $3  }
0x5d: {  	_ = 	snop  }
0x5e: {  	v7 =	vmul.f32 v7, v6;
	_ =	sdelay $0x1  }
0x5f: {  	[tilespmem:s10+$0x4000] =	vst v7;
	s10 =	sshra.s32 s11, $0x2;
	s11 =	sadd.s32 $0x200, s11  }
0x60: {  	v7 =	vld [tilespmem:s10+$0x4000];
	_ =	sdelay $0x4  }
0x61: {  	v6 =	vmul.f32 v7, v6;
	_ =	sdelay $0x1  }
0x62: {  	s30 =	simm.s32 $0x0;
	[tilespmem:s10+$0x4000] =	vst v6  }
0x63: {  	v6 =	vld.idx.msk [tilespmem:v3+s30+$0x0 ss:$0x1], $0xffff;
	_ =	sdelay $0x3  }
0x64: {  	v9 =	vimm.f32 $-1.000000020e+30  }
0x65: {  	s31 =	simm.s32 $0x80;
	v11 =	vmin.f32 v9, v6  }
0x66: {  	v17 =	vld.idx.msk [tilespmem:v3+s31+$0x0 ss:$0x1], $0xffff;
	v15 =	vmin.f32 v9, v11  }
0x67: {  	v12 =	vmin.f32 v9, v15  }
0x68: {  	v10 =	vmin.f32 v9, v12  }
0x69: {  	v19 =	vimm.f32 $-1.000000020e+30;
	v8 =	vmin.f32 v9, v10  }
0x6a: {  	v20 =	vimm.f32 $-1.000000020e+30;
	v16 =	vmax.f32 v9, v6;
	v7 =	vmin.f32 v9, v8  }
0x6b: {  	v18 =	vimm.f32 $-1.000000020e+30;
	v14 =	vmin.f32 v16, v17;
	v6 =	vmin.f32 v9, v7  }
0x6c: {  	s11 =	simm.s32 $0x100;
	s10 =	simm.s32 $0x600;
	v13 =	vmax.f32 v9, v11;
	v11 =	vimm.f32 $-1.000000020e+30;
	v6 =	vmax.f32 v9, v6  }
.LBB2_8:
0x6d: {  	p0 =	sne.s32 s10, $0x7E00;
	v21 =	vld.idx.msk [tilespmem:v3+s11+$0x0 ss:$0x1], $0xffff;
	v9 =	vmax.f32 v9, v15;
	v15 =	vmin.f32 v13, v14  }
0x6e: {  	v19 =	vmax.f32 v19, v12;
	v12 =	vmin.f32 v9, v15  }
.Ltmp3:
0x6f: {  	v20 =	vmax.f32 v20, v10;
	v10 =	vmin.f32 v19, v12;
	(pc) =	sbr.rel @p0 .LBB2_8-.Ltmp3, $4  }
0x70: {  	v18 =	vmax.f32 v18, v8;
	v8 =	vmin.f32 v20, v10  }
0x71: {  	v11 =	vmax.f32 v11, v7;
	v7 =	vmin.f32 v18, v8  }
0x72: {  	v16 =	vmax.f32 v16, v17;
	v22 =	vmin.f32 v11, v7  }
0x73: {  	s11 =	sshra.s32 s10, $0x2;
	s10 =	sadd.s32 $0x200, s10;
	v13 =	vmax.f32 v13, v14;
	v14 =	vmin.f32 v16, v21;
	v17 =	vmovc v21;
	v6 =	vmax.f32 v6, v22  }
0x74: {  	_ =	sdelay $0x3  }
0x75: {  	v21 =	vld.idx.msk [tilespmem:v3+s11+$0x0 ss:$0x1], $0xffff;
	_ =	sdelay $0x1  }
0x76: {  	v22 =	vmin.f32 v13, v14;
	v9 =	vmax.f32 v9, v15;
	v12 =	vmax.f32 v19, v12  }
0x77: {  	v16 =	vmax.f32 v16, v17;
	v10 =	vmax.f32 v20, v10;
	v53 =	vmax.f32 v13, v14  }
0x78: {  	v8 =	vmax.f32 v18, v8;
	v7 =	vmax.f32 v11, v7;
	v15 =	vmin.f32 v9, v22  }
0x79: {  	v9 =	vmax.f32 v9, v22;
	v19 =	vmin.f32 v12, v15;
	v17 =	vmin.f32 v16, v21  }
0x7a: {  	v12 =	vmax.f32 v12, v15;
	v54 =	vmin.f32 v10, v19;
	v55 =	vmin.f32 v53, v17  }
0x7b: {  	v10 =	vmax.f32 v10, v19;
	v57 =	vmin.f32 v8, v54;
	v56 =	vmin.f32 v9, v55  }
0x7c: {  	v8 =	vmax.f32 v8, v54;
	v59 =	vmin.f32 v7, v57;
	v58 =	vmin.f32 v12, v56  }
0x7d: {  	v15 =	vmax.f32 v7, v57;
	v7 =	vmax.f32 v16, v21;
	v11 =	vmin.f32 v10, v58  }
0x7e: {  	v6 =	vmax.f32 v6, v59;
	v13 =	vmax.f32 v53, v17;
	v60 =	vmin.f32 v8, v11  }
0x7f: {  	v9 =	vmax.f32 v9, v55;
	v12 =	vmax.f32 v12, v56;
	v61 =	vmin.f32 v15, v60  }
0x80: {  	v10 =	vmax.f32 v10, v58;
	v8 =	vmax.f32 v8, v11;
	v6 =	vmax.f32 v6, v61  }
0x81: {  	v11 =	vmax.f32 v15, v60;
	vm0 =	vgt.f32 v7, v6;
	vm1 =	vgt.f32 v13, v6  }
0x82: {  	vm11 =	vgt.f32 v9, v6;
	v62 =	vsel vm0, $0xFFFFFFFF, v0;
	v9 =	vsel vm1, $0x7, v1  }
0x83: {  	vm12 =	vgt.f32 v12, v6;
	v63 =	vsel vm11, $0xFFFFFFFF, v0;
	v9 =	vadd.s32 v62, v9  }
0x84: {  	vm13 =	vgt.f32 v10, v6;
	v12 =	vsel vm12, $0xFFFFFFFF, v0;
	v9 =	vadd.s32 v63, v9  }
0x85: {  	vm14 =	vgt.f32 v8, v6;
	v10 =	vsel vm13, $0xFFFFFFFF, v0;
	v8 =	vadd.s32 v12, v9  }
0x86: {  	vm15 =	vgt.f32 v11, v6;
	v9 =	vsel vm14, $0xFFFFFFFF, v0;
	v8 =	vadd.s32 v10, v8  }
0x87: {  	v10 =	vsel vm15, $0xFFFFFFFF, v0;
	v8 =	vadd.s32 v9, v8  }
0x88: {  	s10 =	simm.s32 $0x0;
	s11 =	simm.s32 $0x200;
	v9 =	vadd.s32 v10, v8;
	v8 =	vimm.f32 $0.0e+00;
	v10 =	vimm.s32 $0x0  }
.LBB2_10:
0x89: {  	p0 =	sne.s32 s11, $0x7E00;
	v11 =	vld.idx.msk [tilespmem:v2+s10+$0x2010 ss:$0x1], $0xffff;
	_ =	sdelay $0x5  }
0x8a: {  	v11 =	vsub.f32 $0.0e+00, v11;
	_ =	sdelay $0x1  }
0x8b: {  	v11 =	vmul.f32 $1.442695020e+00, v11;
	_ =	sdelay $0x1  }
0x8c: {  	(erf) = vpow2.f32 v11  }
0x8d: {  	v11 =	vld.idx.msk [tilespmem:v2+s10+$0x10 ss:$0x1], $0xffff;
	_ =	sdelay $0x5  }
0x8e: {  	v12 =	vsub.f32 v11, v7;
	_ =	sdelay $0x1  }
0x8f: {  	v12 =	vmul.f32 $1.442695020e+00, v12;
	v13 =	vpop (erf)  }
0x90: {  	v13 =	vadd.f32 $1.000000000e+00, v13  }
0x91: {  	(erf) = vpow2.f32 v12  }
0x92: {  	(erf) = vrcp.f32 v13;
	_ =	sdelay $0x5  }
0x93: {  	vm1 =	vlt.s32 v10, v9;
	vm0 =	veq.f32 v11, v6  }
0x94: {  	vm2 =	vgt.f32 v11, v6;
	vm1 =	vmand vm1, vm0;
	v13 =	vsel vm0, $0x1, v0  }
.Ltmp4:
0x95: {  	vm0 =	vmor vm2, vm1;
	v10 =	vadd.s32 v13, v10;
	v11 =	vpop (erf);
	(pc) =	sbr.rel @p0 .LBB2_10-.Ltmp4, $3  }
0x96: {  	v11 =	vnsel vm0, $0x0, v11;
	v12 =	vpop (erf)  }
0x97: {  	v12 =	vmul.f32 v12, v11;
	v8 =	vadd.f32 v11, v8;
	_ =	sdelay $0x1  }
0x98: {  	[tilespmem:s10+$0x4010] =	vst v12;
	s10 =	sshra.s32 s11, $0x2;
	s11 =	sadd.s32 $0x200, s11  }
0x99: {  	_ =	sdelay $0x3  }
0x9a: {  	v11 =	vld.idx.msk [tilespmem:v2+s10+$0x2010 ss:$0x1], $0xffff;
	_ =	sdelay $0x3  }
0x9b: {  	v12 =	vld.idx.msk [tilespmem:v2+s10+$0x10 ss:$0x1], $0xffff  }
0x9c: {  	v11 =	vsub.f32 $0.0e+00, v11;
	_ =	sdelay $0x1  }
0x9d: {  	v11 =	vmul.f32 $1.442695020e+00, v11;
	_ =	sdelay $0x1  }
0x9e: {  	v7 =	vsub.f32 v12, v7;
	(erf) = vpow2.f32 v11;
	_ =	sdelay $0x1  }
0x9f: {  	v7 =	vmul.f32 $1.442695020e+00, v7;
	_ =	sdelay $0x1  }
0xa0: {  	(erf) = vpow2.f32 v7;
	_ =	sdelay $0x4  }
0xa1: {  	v7 =	vpop (erf)  }
0xa2: {  	v7 =	vadd.f32 $1.000000000e+00, v7  }
0xa3: {  	vm1 =	vlt.s32 v10, v9;
	vm0 =	veq.f32 v12, v6  }
0xa4: {  	vm2 =	vgt.f32 v12, v6;
	vm0 =	vmand vm1, vm0;
	(erf) = vrcp.f32 v7  }
0xa5: {  	vm0 =	vmor vm2, vm0;
	v6 =	vpop (erf)  }
0xa6: {  	v6 =	vnsel vm0, $0x0, v6  }
0xa7: {  	v7 =	vadd.f32 v6, v8;
	_ =	sdelay $0x1  }
0xa8: {  	(erf) = vrcp.f32 v7;
	_ =	sdelay $0x3  }
0xa9: {  	v7 =	vpop (erf)  }
0xaa: {  	v6 =	vmul.f32 v7, v6;
	_ =	sdelay $0x3  }
0xab: {  	s11 =	simm.s32 $0x200;
	[tilespmem:s10+$0x4010] =	vst v6;
	s10 =	simm.s32 $0x0;
	v6 =	vpop (erf)  }
.LBB2_12:
0xac: {  	p0 =	sne.s32 s11, $0x7E00;
	v7 =	vld [tilespmem:s10+$0x4010];
	_ =	sdelay $0x2  }
.Ltmp5:
0xad: {  	(pc) =	sbr.rel @p0 .LBB2_12-.Ltmp5, $3  }
0xae: {  	_ = 	snop  }
0xaf: {  	v7 =	vmul.f32 v7, v6;
	_ =	sdelay $0x1  }
0xb0: {  	[tilespmem:s10+$0x4010] =	vst v7;
	s10 =	sshra.s32 s11, $0x2;
	s11 =	sadd.s32 $0x200, s11  }
0xb1: {  	v7 =	vld [tilespmem:s10+$0x4010];
	_ =	sdelay $0x4  }
0xb2: {  	v6 =	vmul.f32 v7, v6;
	_ =	sdelay $0x1  }
0xb3: {  	s30 =	simm.s32 $0x0;
	[tilespmem:s10+$0x4010] =	vst v6  }
0xb4: {  	v6 =	vld.idx.msk [tilespmem:v4+s30+$0x0 ss:$0x1], $0xffff;
	_ =	sdelay $0x3  }
0xb5: {  	v9 =	vimm.f32 $-1.000000020e+30  }
0xb6: {  	s31 =	simm.s32 $0x80;
	v11 =	vmin.f32 v9, v6  }
0xb7: {  	v17 =	vld.idx.msk [tilespmem:v4+s31+$0x0 ss:$0x1], $0xffff;
	v15 =	vmin.f32 v9, v11  }
0xb8: {  	v12 =	vmin.f32 v9, v15  }
0xb9: {  	v10 =	vmin.f32 v9, v12  }
0xba: {  	v19 =	vimm.f32 $-1.000000020e+30;
	v8 =	vmin.f32 v9, v10  }
0xbb: {  	v20 =	vimm.f32 $-1.000000020e+30;
	v16 =	vmax.f32 v9, v6;
	v7 =	vmin.f32 v9, v8  }
0xbc: {  	v18 =	vimm.f32 $-1.000000020e+30;
	v14 =	vmin.f32 v16, v17;
	v6 =	vmin.f32 v9, v7  }
0xbd: {  	s11 =	simm.s32 $0x100;
	s10 =	simm.s32 $0x600;
	v13 =	vmax.f32 v9, v11;
	v11 =	vimm.f32 $-1.000000020e+30;
	v6 =	vmax.f32 v9, v6  }
.LBB2_14:
0xbe: {  	p0 =	sne.s32 s10, $0x7E00;
	v21 =	vld.idx.msk [tilespmem:v4+s11+$0x0 ss:$0x1], $0xffff;
	v9 =	vmax.f32 v9, v15;
	v15 =	vmin.f32 v13, v14  }
0xbf: {  	v19 =	vmax.f32 v19, v12;
	v12 =	vmin.f32 v9, v15  }
.Ltmp6:
0xc0: {  	v20 =	vmax.f32 v20, v10;
	v10 =	vmin.f32 v19, v12;
	(pc) =	sbr.rel @p0 .LBB2_14-.Ltmp6, $4  }
0xc1: {  	v18 =	vmax.f32 v18, v8;
	v8 =	vmin.f32 v20, v10  }
0xc2: {  	v11 =	vmax.f32 v11, v7;
	v7 =	vmin.f32 v18, v8  }
0xc3: {  	v16 =	vmax.f32 v16, v17;
	v22 =	vmin.f32 v11, v7  }
0xc4: {  	s11 =	sshra.s32 s10, $0x2;
	s10 =	sadd.s32 $0x200, s10;
	v13 =	vmax.f32 v13, v14;
	v14 =	vmin.f32 v16, v21;
	v17 =	vmovc v21;
	v6 =	vmax.f32 v6, v22  }
0xc5: {  	_ =	sdelay $0x3  }
0xc6: {  	v21 =	vld.idx.msk [tilespmem:v4+s11+$0x0 ss:$0x1], $0xffff;
	_ =	sdelay $0x1  }
0xc7: {  	v22 =	vmin.f32 v13, v14;
	v9 =	vmax.f32 v9, v15;
	v12 =	vmax.f32 v19, v12  }
0xc8: {  	v16 =	vmax.f32 v16, v17;
	v10 =	vmax.f32 v20, v10;
	v53 =	vmax.f32 v13, v14  }
0xc9: {  	v8 =	vmax.f32 v18, v8;
	v7 =	vmax.f32 v11, v7;
	v15 =	vmin.f32 v9, v22  }
0xca: {  	v9 =	vmax.f32 v9, v22;
	v19 =	vmin.f32 v12, v15;
	v17 =	vmin.f32 v16, v21  }
0xcb: {  	v12 =	vmax.f32 v12, v15;
	v54 =	vmin.f32 v10, v19;
	v55 =	vmin.f32 v53, v17  }
0xcc: {  	v10 =	vmax.f32 v10, v19;
	v57 =	vmin.f32 v8, v54;
	v56 =	vmin.f32 v9, v55  }
0xcd: {  	v8 =	vmax.f32 v8, v54;
	v59 =	vmin.f32 v7, v57;
	v58 =	vmin.f32 v12, v56  }
0xce: {  	v15 =	vmax.f32 v7, v57;
	v7 =	vmax.f32 v16, v21;
	v11 =	vmin.f32 v10, v58  }
0xcf: {  	v6 =	vmax.f32 v6, v59;
	v13 =	vmax.f32 v53, v17;
	v60 =	vmin.f32 v8, v11  }
0xd0: {  	v9 =	vmax.f32 v9, v55;
	v12 =	vmax.f32 v12, v56;
	v61 =	vmin.f32 v15, v60  }
0xd1: {  	v10 =	vmax.f32 v10, v58;
	v8 =	vmax.f32 v8, v11;
	v6 =	vmax.f32 v6, v61  }
0xd2: {  	v11 =	vmax.f32 v15, v60;
	vm0 =	vgt.f32 v7, v6;
	vm1 =	vgt.f32 v13, v6  }
0xd3: {  	vm11 =	vgt.f32 v9, v6;
	v62 =	vsel vm0, $0xFFFFFFFF, v0;
	v9 =	vsel vm1, $0x7, v1  }
0xd4: {  	vm12 =	vgt.f32 v12, v6;
	v63 =	vsel vm11, $0xFFFFFFFF, v0;
	v9 =	vadd.s32 v62, v9  }
0xd5: {  	vm13 =	vgt.f32 v10, v6;
	v12 =	vsel vm12, $0xFFFFFFFF, v0;
	v9 =	vadd.s32 v63, v9  }
0xd6: {  	vm14 =	vgt.f32 v8, v6;
	v10 =	vsel vm13, $0xFFFFFFFF, v0;
	v8 =	vadd.s32 v12, v9  }
0xd7: {  	vm15 =	vgt.f32 v11, v6;
	v9 =	vsel vm14, $0xFFFFFFFF, v0;
	v8 =	vadd.s32 v10, v8  }
0xd8: {  	v10 =	vsel vm15, $0xFFFFFFFF, v0;
	v8 =	vadd.s32 v9, v8  }
0xd9: {  	s10 =	simm.s32 $0x0;
	s11 =	simm.s32 $0x200;
	v9 =	vadd.s32 v10, v8;
	v8 =	vimm.f32 $0.0e+00;
	v10 =	vimm.s32 $0x0  }
.LBB2_16:
0xda: {  	p0 =	sne.s32 s11, $0x7E00;
	v11 =	vld.idx.msk [tilespmem:v2+s10+$0x2020 ss:$0x1], $0xffff;
	_ =	sdelay $0x5  }
0xdb: {  	v11 =	vsub.f32 $0.0e+00, v11;
	_ =	sdelay $0x1  }
0xdc: {  	v11 =	vmul.f32 $1.442695020e+00, v11;
	_ =	sdelay $0x1  }
0xdd: {  	(erf) = vpow2.f32 v11  }
0xde: {  	v11 =	vld.idx.msk [tilespmem:v2+s10+$0x20 ss:$0x1], $0xffff;
	_ =	sdelay $0x5  }
0xdf: {  	v12 =	vsub.f32 v11, v7;
	_ =	sdelay $0x1  }
0xe0: {  	v12 =	vmul.f32 $1.442695020e+00, v12;
	v13 =	vpop (erf)  }
0xe1: {  	v13 =	vadd.f32 $1.000000000e+00, v13  }
0xe2: {  	(erf) = vpow2.f32 v12  }
0xe3: {  	(erf) = vrcp.f32 v13;
	_ =	sdelay $0x5  }
0xe4: {  	vm1 =	vlt.s32 v10, v9;
	vm0 =	veq.f32 v11, v6  }
0xe5: {  	vm2 =	vgt.f32 v11, v6;
	vm1 =	vmand vm1, vm0;
	v13 =	vsel vm0, $0x1, v0  }
.Ltmp7:
0xe6: {  	vm0 =	vmor vm2, vm1;
	v10 =	vadd.s32 v13, v10;
	v11 =	vpop (erf);
	(pc) =	sbr.rel @p0 .LBB2_16-.Ltmp7, $3  }
0xe7: {  	v11 =	vnsel vm0, $0x0, v11;
	v12 =	vpop (erf)  }
0xe8: {  	v12 =	vmul.f32 v12, v11;
	v8 =	vadd.f32 v11, v8;
	_ =	sdelay $0x1  }
0xe9: {  	[tilespmem:s10+$0x4020] =	vst v12;
	s10 =	sshra.s32 s11, $0x2;
	s11 =	sadd.s32 $0x200, s11  }
0xea: {  	_ =	sdelay $0x3  }
0xeb: {  	v11 =	vld.idx.msk [tilespmem:v2+s10+$0x2020 ss:$0x1], $0xffff;
	_ =	sdelay $0x3  }
0xec: {  	v12 =	vld.idx.msk [tilespmem:v2+s10+$0x20 ss:$0x1], $0xffff  }
0xed: {  	v11 =	vsub.f32 $0.0e+00, v11;
	_ =	sdelay $0x1  }
0xee: {  	v11 =	vmul.f32 $1.442695020e+00, v11;
	_ =	sdelay $0x1  }
0xef: {  	v7 =	vsub.f32 v12, v7;
	(erf) = vpow2.f32 v11;
	_ =	sdelay $0x1  }
0xf0: {  	v7 =	vmul.f32 $1.442695020e+00, v7;
	_ =	sdelay $0x1  }
0xf1: {  	(erf) = vpow2.f32 v7;
	_ =	sdelay $0x4  }
0xf2: {  	v7 =	vpop (erf)  }
0xf3: {  	v7 =	vadd.f32 $1.000000000e+00, v7  }
0xf4: {  	vm1 =	vlt.s32 v10, v9;
	vm0 =	veq.f32 v12, v6  }
0xf5: {  	vm2 =	vgt.f32 v12, v6;
	vm0 =	vmand vm1, vm0;
	(erf) = vrcp.f32 v7  }
0xf6: {  	vm0 =	vmor vm2, vm0;
	v6 =	vpop (erf)  }
0xf7: {  	v6 =	vnsel vm0, $0x0, v6  }
0xf8: {  	v7 =	vadd.f32 v6, v8;
	_ =	sdelay $0x1  }
0xf9: {  	(erf) = vrcp.f32 v7;
	_ =	sdelay $0x3  }
0xfa: {  	v7 =	vpop (erf)  }
0xfb: {  	v6 =	vmul.f32 v7, v6;
	_ =	sdelay $0x3  }
0xfc: {  	s11 =	simm.s32 $0x200;
	[tilespmem:s10+$0x4020] =	vst v6;
	s10 =	simm.s32 $0x0;
	v6 =	vpop (erf)  }
.LBB2_18:
0xfd: {  	p0 =	sne.s32 s11, $0x7E00;
	v7 =	vld [tilespmem:s10+$0x4020];
	_ =	sdelay $0x2  }
.Ltmp8:
0xfe: {  	(pc) =	sbr.rel @p0 .LBB2_18-.Ltmp8, $3  }
0xff: {  	_ = 	snop  }
0x100: {  	v7 =	vmul.f32 v7, v6;
	_ =	sdelay $0x1  }
0x101: {  	[tilespmem:s10+$0x4020] =	vst v7;
	s10 =	sshra.s32 s11, $0x2;
	s11 =	sadd.s32 $0x200, s11  }
0x102: {  	v7 =	vld [tilespmem:s10+$0x4020];
	_ =	sdelay $0x4  }
0x103: {  	v6 =	vmul.f32 v7, v6;
	_ =	sdelay $0x1  }
0x104: {  	s30 =	simm.s32 $0x0;
	[tilespmem:s10+$0x4020] =	vst v6  }
0x105: {  	v6 =	vld.idx.msk [tilespmem:v5+s30+$0x0 ss:$0x1], $0xffff;
	_ =	sdelay $0x3  }
0x106: {  	v9 =	vimm.f32 $-1.000000020e+30  }
0x107: {  	s31 =	simm.s32 $0x80;
	v11 =	vmin.f32 v9, v6  }
0x108: {  	v17 =	vld.idx.msk [tilespmem:v5+s31+$0x0 ss:$0x1], $0xffff;
	v15 =	vmin.f32 v9, v11  }
0x109: {  	v12 =	vmin.f32 v9, v15  }
0x10a: {  	v10 =	vmin.f32 v9, v12  }
0x10b: {  	v19 =	vimm.f32 $-1.000000020e+30;
	v8 =	vmin.f32 v9, v10  }
0x10c: {  	v20 =	vimm.f32 $-1.000000020e+30;
	v16 =	vmax.f32 v9, v6;
	v7 =	vmin.f32 v9, v8  }
0x10d: {  	v18 =	vimm.f32 $-1.000000020e+30;
	v14 =	vmin.f32 v16, v17;
	v6 =	vmin.f32 v9, v7  }
0x10e: {  	s11 =	simm.s32 $0x100;
	s10 =	simm.s32 $0x600;
	v13 =	vmax.f32 v9, v11;
	v11 =	vimm.f32 $-1.000000020e+30;
	v6 =	vmax.f32 v9, v6  }
.LBB2_20:
0x10f: {  	p0 =	sne.s32 s10, $0x7E00;
	v21 =	vld.idx.msk [tilespmem:v5+s11+$0x0 ss:$0x1], $0xffff;
	v9 =	vmax.f32 v9, v15;
	v15 =	vmin.f32 v13, v14  }
0x110: {  	v19 =	vmax.f32 v19, v12;
	v12 =	vmin.f32 v9, v15  }
.Ltmp9:
0x111: {  	v20 =	vmax.f32 v20, v10;
	v10 =	vmin.f32 v19, v12;
	(pc) =	sbr.rel @p0 .LBB2_20-.Ltmp9, $4  }
0x112: {  	v18 =	vmax.f32 v18, v8;
	v8 =	vmin.f32 v20, v10  }
0x113: {  	v11 =	vmax.f32 v11, v7;
	v7 =	vmin.f32 v18, v8  }
0x114: {  	v16 =	vmax.f32 v16, v17;
	v22 =	vmin.f32 v11, v7  }
0x115: {  	s11 =	sshra.s32 s10, $0x2;
	s10 =	sadd.s32 $0x200, s10;
	v13 =	vmax.f32 v13, v14;
	v14 =	vmin.f32 v16, v21;
	v17 =	vmovc v21;
	v6 =	vmax.f32 v6, v22  }
0x116: {  	_ =	sdelay $0x3  }
0x117: {  	v21 =	vld.idx.msk [tilespmem:v5+s11+$0x0 ss:$0x1], $0xffff;
	_ =	sdelay $0x1  }
0x118: {  	v22 =	vmin.f32 v13, v14;
	v9 =	vmax.f32 v9, v15;
	v12 =	vmax.f32 v19, v12  }
0x119: {  	v16 =	vmax.f32 v16, v17;
	v10 =	vmax.f32 v20, v10;
	v53 =	vmax.f32 v13, v14  }
0x11a: {  	v8 =	vmax.f32 v18, v8;
	v7 =	vmax.f32 v11, v7;
	v15 =	vmin.f32 v9, v22  }
0x11b: {  	v9 =	vmax.f32 v9, v22;
	v19 =	vmin.f32 v12, v15;
	v17 =	vmin.f32 v16, v21  }
0x11c: {  	v12 =	vmax.f32 v12, v15;
	v54 =	vmin.f32 v10, v19;
	v55 =	vmin.f32 v53, v17  }
0x11d: {  	v10 =	vmax.f32 v10, v19;
	v57 =	vmin.f32 v8, v54;
	v56 =	vmin.f32 v9, v55  }
0x11e: {  	v8 =	vmax.f32 v8, v54;
	v59 =	vmin.f32 v7, v57;
	v58 =	vmin.f32 v12, v56  }
0x11f: {  	v15 =	vmax.f32 v7, v57;
	v7 =	vmax.f32 v16, v21;
	v11 =	vmin.f32 v10, v58  }
0x120: {  	v6 =	vmax.f32 v6, v59;
	v13 =	vmax.f32 v53, v17;
	v60 =	vmin.f32 v8, v11  }
0x121: {  	v9 =	vmax.f32 v9, v55;
	v12 =	vmax.f32 v12, v56;
	v61 =	vmin.f32 v15, v60  }
0x122: {  	v10 =	vmax.f32 v10, v58;
	v8 =	vmax.f32 v8, v11;
	v6 =	vmax.f32 v6, v61  }
0x123: {  	v11 =	vmax.f32 v15, v60;
	vm0 =	vgt.f32 v7, v6;
	vm1 =	vgt.f32 v13, v6  }
0x124: {  	vm11 =	vgt.f32 v9, v6;
	v62 =	vsel vm0, $0xFFFFFFFF, v0;
	v9 =	vsel vm1, $0x7, v1  }
0x125: {  	vm12 =	vgt.f32 v12, v6;
	v63 =	vsel vm11, $0xFFFFFFFF, v0;
	v9 =	vadd.s32 v62, v9  }
0x126: {  	vm13 =	vgt.f32 v10, v6;
	v12 =	vsel vm12, $0xFFFFFFFF, v0;
	v9 =	vadd.s32 v63, v9  }
0x127: {  	vm14 =	vgt.f32 v8, v6;
	v10 =	vsel vm13, $0xFFFFFFFF, v0;
	v8 =	vadd.s32 v12, v9  }
0x128: {  	vm15 =	vgt.f32 v11, v6;
	v9 =	vsel vm14, $0xFFFFFFFF, v0;
	v8 =	vadd.s32 v10, v8  }
0x129: {  	v10 =	vsel vm15, $0xFFFFFFFF, v0;
	v8 =	vadd.s32 v9, v8  }
0x12a: {  	s10 =	simm.s32 $0x0;
	s11 =	simm.s32 $0x200;
	v9 =	vadd.s32 v10, v8;
	v8 =	vimm.f32 $0.0e+00;
	v10 =	vimm.s32 $0x0  }
.LBB2_22:
0x12b: {  	p0 =	sne.s32 s11, $0x7E00;
	v11 =	vld.idx.msk [tilespmem:v2+s10+$0x2030 ss:$0x1], $0xffff;
	_ =	sdelay $0x5  }
0x12c: {  	v11 =	vsub.f32 $0.0e+00, v11;
	_ =	sdelay $0x1  }
0x12d: {  	v11 =	vmul.f32 $1.442695020e+00, v11;
	_ =	sdelay $0x1  }
0x12e: {  	(erf) = vpow2.f32 v11  }
0x12f: {  	v11 =	vld.idx.msk [tilespmem:v2+s10+$0x30 ss:$0x1], $0xffff;
	_ =	sdelay $0x5  }
0x130: {  	v12 =	vsub.f32 v11, v7;
	_ =	sdelay $0x1  }
0x131: {  	v12 =	vmul.f32 $1.442695020e+00, v12;
	v13 =	vpop (erf)  }
0x132: {  	v13 =	vadd.f32 $1.000000000e+00, v13  }
0x133: {  	(erf) = vpow2.f32 v12  }
0x134: {  	(erf) = vrcp.f32 v13;
	_ =	sdelay $0x5  }
0x135: {  	vm1 =	vlt.s32 v10, v9;
	vm0 =	veq.f32 v11, v6  }
0x136: {  	vm2 =	vgt.f32 v11, v6;
	vm1 =	vmand vm1, vm0;
	v13 =	vsel vm0, $0x1, v0  }
.Ltmp10:
0x137: {  	vm0 =	vmor vm2, vm1;
	v10 =	vadd.s32 v13, v10;
	v11 =	vpop (erf);
	(pc) =	sbr.rel @p0 .LBB2_22-.Ltmp10, $3  }
0x138: {  	v11 =	vnsel vm0, $0x0, v11;
	v12 =	vpop (erf)  }
0x139: {  	v12 =	vmul.f32 v12, v11;
	v8 =	vadd.f32 v11, v8;
	_ =	sdelay $0x1  }
0x13a: {  	[tilespmem:s10+$0x4030] =	vst v12;
	s10 =	sshra.s32 s11, $0x2;
	s11 =	sadd.s32 $0x200, s11  }
0x13b: {  	_ =	sdelay $0x3  }
0x13c: {  	v11 =	vld.idx.msk [tilespmem:v2+s10+$0x2030 ss:$0x1], $0xffff;
	_ =	sdelay $0x3  }
0x13d: {  	v12 =	vld.idx.msk [tilespmem:v2+s10+$0x30 ss:$0x1], $0xffff  }
0x13e: {  	v11 =	vsub.f32 $0.0e+00, v11;
	_ =	sdelay $0x1  }
0x13f: {  	v11 =	vmul.f32 $1.442695020e+00, v11;
	_ =	sdelay $0x1  }
0x140: {  	v7 =	vsub.f32 v12, v7;
	(erf) = vpow2.f32 v11;
	_ =	sdelay $0x1  }
0x141: {  	v7 =	vmul.f32 $1.442695020e+00, v7;
	_ =	sdelay $0x1  }
0x142: {  	(erf) = vpow2.f32 v7;
	_ =	sdelay $0x4  }
0x143: {  	v7 =	vpop (erf)  }
0x144: {  	v7 =	vadd.f32 $1.000000000e+00, v7  }
0x145: {  	vm1 =	vlt.s32 v10, v9;
	vm0 =	veq.f32 v12, v6  }
0x146: {  	vm2 =	vgt.f32 v12, v6;
	vm0 =	vmand vm1, vm0;
	(erf) = vrcp.f32 v7  }
0x147: {  	vm0 =	vmor vm2, vm0;
	v6 =	vpop (erf)  }
0x148: {  	v6 =	vnsel vm0, $0x0, v6  }
0x149: {  	v7 =	vadd.f32 v6, v8;
	_ =	sdelay $0x1  }
0x14a: {  	(erf) = vrcp.f32 v7;
	_ =	sdelay $0x3  }
0x14b: {  	v7 =	vpop (erf)  }
0x14c: {  	v6 =	vmul.f32 v7, v6;
	_ =	sdelay $0x3  }
0x14d: {  	s11 =	simm.s32 $0x200;
	[tilespmem:s10+$0x4030] =	vst v6;
	s10 =	simm.s32 $0x0;
	v6 =	vpop (erf)  }
.LBB2_24:
0x14e: {  	p0 =	sne.s32 s11, $0x7E00;
	v7 =	vld [tilespmem:s10+$0x4030];
	_ =	sdelay $0x2  }
.Ltmp11:
0x14f: {  	(pc) =	sbr.rel @p0 .LBB2_24-.Ltmp11, $3  }
0x150: {  	_ = 	snop  }
0x151: {  	v7 =	vmul.f32 v7, v6;
	_ =	sdelay $0x1  }
0x152: {  	[tilespmem:s10+$0x4030] =	vst v7;
	s10 =	sshra.s32 s11, $0x2;
	s11 =	sadd.s32 $0x200, s11  }
0x153: {  	v7 =	vld [tilespmem:s10+$0x4030];
	_ =	sdelay $0x4  }
0x154: {  	s9 =	sadd.s32 $0x1, s9;
	v6 =	vmul.f32 v7, v6  }
0x155: {  	p0 =	sne.s32 s9, s6  }
.Ltmp12:
0x156: {  	[tilespmem:s10+$0x4030] =	vst v6;
	(pc) =	sbr.rel @p0 .LBB2_1-.Ltmp12, $4  }
0x157: {  	[hbm4b:s5+s2] =	stream.linear.scatter [tilespmem:s8], [sflag:$0x1], $0x2000, $0x38;
	[tilespmem:$0x6000] =	vst v63  }
0x158: {  	_ =	swait.ge [sflag:s3], $0x2000  }
0x159: {  	[sflag:s3] =	ssyncset.done $0x0  }
0x15a: {  	[sflag:s3] =	ssyncadd.s32 $0xFFFFE000  }
0x15b: {  	_ =	sfence.sel $0x180000  }
0x15c: {  	[bflag:$0x0] =	sbarrier.arrive $0xFFFF  }
0x15d: {  	p0 =	sne.s32 s0, $0x0;
	_ =	strace $0x90000047  }
0x15e: {  	s0 =	sadd.s32 @!p0 $0x100000, s1;
	[bflag:$0x2] =	sbarrier.arrive $0xFFFF  }
0x15f: {  	[sflag:s0] =	ssyncadd.tile.s32 @!p0 $0x1;
	_ =	shalt  }
.Lfunc_end2:
_tile_overlayer_lowered:
.L_overlay_start_2:
0x160: {  	(tag) =	ssettag $0x2  }
0x161: {  	s0 =	rddreg [dreg:$0x0];
	s2 =	stileid.u32  }
0x162: {  	s1 =	rddreg [dreg:$0x1];
	p0 =	sne.s32 s2, $0x0  }
0x163: {  	s3 =	rddreg [dreg:$0x2];
	[bflag:$0x3] =	sbarrier.arrive $0xFFFF;
	s2 =	simm.s32 @!p0 $0x1C01  }
0x164: {  	[timem:s3], [sflag:s2] =	dma.local @!p0 [hbm:s0], s1  }
0x165: {  	s0 =	simm.s32 @!p0 $0x1  }
0x166: {  	_ =	swait.ge @!p0 [sflag:s0], s1  }
0x167: {  	s1 =	ssub.s32 @!p0 $0x0, s1;
	[sflag:s0] =	ssyncset.done @!p0 $0x0  }
0x168: {  	[sflag:s0] =	ssyncadd.s32 @!p0 s1  }
0x169: {  	[bflag:$0x3] =	sbarrier.arrive $0xFFFF  }
0x16a: {  	_ =	shalt  }

</sc_bundles>
